<compile_context>
chip_gen: v7x
topology: tpu7x:2x2x1
jax: 0.10.2.dev20260603
libtpu: 0.0.44.dev20260713+nightly
codegen_flags: <defaults>
</compile_context>

<pallas_src>
import functools

import jax
import jax.numpy as jnp
from jax import lax
from jax.experimental import pallas as pl
from jax.experimental.pallas import tpu as pltpu
from jax.experimental.pallas import tpu_sc as plsc

N_NODES = 10000
N_EDGES = 320000
D_FEAT = 128
D_EDGE = 16
D_U = 128
N_GRAPHS = 16
OUT_DIM = 128

NC = 2
NS = 16
NW = NC * NS
E_PER_TILE = N_EDGES // NW
CHUNK = 40
N_CHUNKS = E_PER_TILE // CHUNK
ROW_STRIPE = 1000
N_STRIPES = N_NODES // ROW_STRIPE

NB = 1000
EB = 2000


def _node_pre_body(x_ref, batch_ref, u_ref, w_sd_ref, w_u_ref, a_ref, b_ref):
    xb = x_ref[...]
    ab = jnp.dot(xb, w_sd_ref[...], preferred_element_type=jnp.float32)
    u_proj = jnp.dot(u_ref[...], w_u_ref[...], preferred_element_type=jnp.float32)
    oh = (batch_ref[...] == lax.broadcasted_iota(jnp.int32, (NB, N_GRAPHS), 1)
          ).astype(jnp.float32)
    a_ref[...] = ab[:, :OUT_DIM] + jnp.dot(
        oh, u_proj, preferred_element_type=jnp.float32)
    b_ref[...] = ab[:, OUT_DIM:]


def _edge_pre_body(ea_ref, w_e_ref, b1_ref, pe_ref):
    pe_ref[...] = jnp.dot(ea_ref[...], w_e_ref[...],
                          preferred_element_type=jnp.float32) + b1_ref[...]


def _final_body(x_ref, agg_ref, batch_ref, u_ref, w2_ref, b2_ref, o_ref):
    w2 = w2_ref[...]
    agg = agg_ref[0] + agg_ref[1]
    acc = jnp.dot(x_ref[...], w2[:D_FEAT], preferred_element_type=jnp.float32)
    acc += jnp.dot(agg, w2[D_FEAT:D_FEAT + OUT_DIM],
                   preferred_element_type=jnp.float32)
    u_proj = jnp.dot(u_ref[...], w2[D_FEAT + OUT_DIM:],
                     preferred_element_type=jnp.float32)
    oh = (batch_ref[...] == lax.broadcasted_iota(jnp.int32, (NB, N_GRAPHS), 1)
          ).astype(jnp.float32)
    acc += jnp.dot(oh, u_proj, preferred_element_type=jnp.float32)
    o_ref[...] = jnp.maximum(acc + b2_ref[...], 0.0)


def _sc_edge_body(a_hbm, b_hbm, pe_hbm, src_hbm, dst_hbm, zero_hbm, out_hbm,
                  si0, di0, si1, di1, a0, b0, p0, a1, b1_, p1, agg,
                  sem0, sem1):
    c = lax.axis_index("c")
    s = lax.axis_index("s")
    wid = c * NS + s

    @pl.when(s < N_STRIPES)
    def _zero():
        pltpu.sync_copy(zero_hbm.at[pl.ds(s * ROW_STRIPE, ROW_STRIPE)],
                        agg.at[pl.ds(s * ROW_STRIPE, ROW_STRIPE)])

    plsc.subcore_barrier()

    def load_idx(t, si, di):
        base = wid * E_PER_TILE + t * CHUNK
        pltpu.sync_copy(src_hbm.at[pl.ds(base, CHUNK)], si)
        pltpu.sync_copy(dst_hbm.at[pl.ds(base, CHUNK)], di)

    def issue_g(t, si, di, ba, bb, bp, sem):
        pltpu.async_copy(a_hbm.at[si], ba, sem)
        pltpu.async_copy(b_hbm.at[di], bb, sem)
        pltpu.async_copy(
            pe_hbm.at[pl.ds(wid * E_PER_TILE + t * CHUNK, CHUNK)], bp, sem)

    def drain(ba, bb, bp, sem):
        pltpu.make_async_copy(pe_hbm.at[pl.ds(0, CHUNK)], ba, sem).wait()
        pltpu.make_async_copy(pe_hbm.at[pl.ds(0, CHUNK)], bb, sem).wait()
        pltpu.make_async_copy(pe_hbm.at[pl.ds(0, CHUNK)], bp, sem).wait()

    def compute_scatter(di, ba, bb, bp):
        def row_body(r, rc):
            for j in range(OUT_DIM // 16):
                sl = pl.ds(j * 16, 16)
                v = ba[r, sl] + bb[r, sl] + bp[r, sl]
                bp[r, sl] = jnp.maximum(v, 0.0)
            return rc

        lax.fori_loop(0, CHUNK, row_body, 0)
        pltpu.sync_copy(bp, agg.at[di], add=True)

    load_idx(0, si0, di0)
    issue_g(0, si0, di0, a0, b0, p0, sem0)
    load_idx(1, si1, di1)

    def pair_body(i, carry):
        t0 = 2 * i
        issue_g(t0 + 1, si1, di1, a1, b1_, p1, sem1)
        drain(a0, b0, p0, sem0)
        compute_scatter(di0, a0, b0, p0)
        load_idx(t0 + 2, si0, di0)
        issue_g(t0 + 2, si0, di0, a0, b0, p0, sem0)
        drain(a1, b1_, p1, sem1)
        compute_scatter(di1, a1, b1_, p1)
        load_idx(t0 + 3, si1, di1)
        return carry

    lax.fori_loop(0, N_CHUNKS // 2 - 1, pair_body, 0)
    issue_g(N_CHUNKS - 1, si1, di1, a1, b1_, p1, sem1)
    drain(a0, b0, p0, sem0)
    compute_scatter(di0, a0, b0, p0)
    drain(a1, b1_, p1, sem1)
    compute_scatter(di1, a1, b1_, p1)

    plsc.subcore_barrier()

    @pl.when(s < N_STRIPES)
    def _writeback():
        pltpu.sync_copy(agg.at[pl.ds(s * ROW_STRIPE, ROW_STRIPE)],
                        out_hbm.at[c, pl.ds(s * ROW_STRIPE, ROW_STRIPE)])


_sc_edge_kernel = functools.partial(
    pl.kernel,
    out_type=jax.ShapeDtypeStruct((NC, N_NODES, OUT_DIM), jnp.float32),
    mesh=plsc.VectorSubcoreMesh(core_axis_name="c", subcore_axis_name="s",
                                num_cores=NC, num_subcores=NS),
    scratch_types=[
        pltpu.VMEM((CHUNK,), jnp.int32),
        pltpu.VMEM((CHUNK,), jnp.int32),
        pltpu.VMEM((CHUNK,), jnp.int32),
        pltpu.VMEM((CHUNK,), jnp.int32),
        pltpu.VMEM((CHUNK, OUT_DIM), jnp.float32),
        pltpu.VMEM((CHUNK, OUT_DIM), jnp.float32),
        pltpu.VMEM((CHUNK, OUT_DIM), jnp.float32),
        pltpu.VMEM((CHUNK, OUT_DIM), jnp.float32),
        pltpu.VMEM((CHUNK, OUT_DIM), jnp.float32),
        pltpu.VMEM((CHUNK, OUT_DIM), jnp.float32),
        pltpu.VMEM_SHARED((N_NODES, OUT_DIM), jnp.float32),
        pltpu.SemaphoreType.DMA,
        pltpu.SemaphoreType.DMA,
    ],
)(_sc_edge_body)


def kernel(x, edge_index, edge_attr, u, batch, W1, b1, W2, b2):
    x = x.astype(jnp.float32)
    src = edge_index[0].astype(jnp.int32)
    dst = edge_index[1].astype(jnp.int32)
    batch2d = batch.astype(jnp.int32).reshape(N_NODES, 1)

    w_sd = jnp.concatenate([W1[:D_FEAT], W1[D_FEAT:2 * D_FEAT]], axis=1)
    w_e = W1[2 * D_FEAT:2 * D_FEAT + D_EDGE]
    w_u = W1[2 * D_FEAT + D_EDGE:]
    b1r = b1.reshape(1, OUT_DIM)
    b2r = b2.reshape(1, OUT_DIM)

    n_grid = N_NODES // NB
    a_tab, b_tab = pl.pallas_call(
        _node_pre_body,
        grid=(n_grid,),
        in_specs=[
            pl.BlockSpec((NB, D_FEAT), lambda i: (i, 0)),
            pl.BlockSpec((NB, 1), lambda i: (i, 0)),
            pl.BlockSpec((N_GRAPHS, D_U), lambda i: (0, 0)),
            pl.BlockSpec((D_FEAT, 2 * OUT_DIM), lambda i: (0, 0)),
            pl.BlockSpec((D_U, OUT_DIM), lambda i: (0, 0)),
        ],
        out_specs=[
            pl.BlockSpec((NB, OUT_DIM), lambda i: (i, 0)),
            pl.BlockSpec((NB, OUT_DIM), lambda i: (i, 0)),
        ],
        out_shape=[
            jax.ShapeDtypeStruct((N_NODES, OUT_DIM), jnp.float32),
            jax.ShapeDtypeStruct((N_NODES, OUT_DIM), jnp.float32),
        ],
    )(x, batch2d, u, w_sd, w_u)

    pe = pl.pallas_call(
        _edge_pre_body,
        grid=(N_EDGES // EB,),
        in_specs=[
            pl.BlockSpec((EB, D_EDGE), lambda i: (i, 0)),
            pl.BlockSpec((D_EDGE, OUT_DIM), lambda i: (0, 0)),
            pl.BlockSpec((1, OUT_DIM), lambda i: (0, 0)),
        ],
        out_specs=pl.BlockSpec((EB, OUT_DIM), lambda i: (i, 0)),
        out_shape=jax.ShapeDtypeStruct((N_EDGES, OUT_DIM), jnp.float32),
    )(edge_attr, w_e, b1r)

    zeros = jnp.zeros((N_NODES, OUT_DIM), jnp.float32)
    agg2 = _sc_edge_kernel(a_tab, b_tab, pe, src, dst, zeros)

    out = pl.pallas_call(
        _final_body,
        grid=(n_grid,),
        in_specs=[
            pl.BlockSpec((NB, D_FEAT), lambda i: (i, 0)),
            pl.BlockSpec((NC, NB, OUT_DIM), lambda i: (0, i, 0)),
            pl.BlockSpec((NB, 1), lambda i: (i, 0)),
            pl.BlockSpec((N_GRAPHS, D_U), lambda i: (0, 0)),
            pl.BlockSpec((D_FEAT + OUT_DIM + D_U, OUT_DIM), lambda i: (0, 0)),
            pl.BlockSpec((1, OUT_DIM), lambda i: (0, 0)),
        ],
        out_specs=pl.BlockSpec((NB, OUT_DIM), lambda i: (i, 0)),
        out_shape=jax.ShapeDtypeStruct((N_NODES, OUT_DIM), jnp.float32),
    )(x, agg2, batch2d, u, W2, b2r)
    return out

# --- scband reference (transcript-rebuilt; emitter-appended) ---
"""Pipeline reference for scband-node-model-12077448036506 (READ-ONLY COPY).

The authoritative reference and input builder live on the scoring server;
editing this copy changes nothing except your own understanding.
"""

import jax, jax.numpy as jnp
import numpy as np

N_NODES = 10000
N_EDGES = 320000
D_FEAT = 128
D_EDGE = 16
D_U = 128
N_GRAPHS = 16
OUT_DIM = 128
IN_DIM_MLP1 = 2 * D_FEAT + D_EDGE + D_U  # 400
IN_DIM_MLP2 = D_FEAT + OUT_DIM + D_U     # 384


def setup_inputs(seed: int = 0) -> dict:
    key = jax.random.key(seed)
    ks = jax.random.split(key, 9)
    x = jax.random.normal(ks[0], (N_NODES, D_FEAT), dtype=jnp.float32)
    edge_index = jax.random.randint(ks[1], (2, N_EDGES), 0, N_NODES, dtype=jnp.int64)
    edge_attr = jax.random.normal(ks[2], (N_EDGES, D_EDGE), dtype=jnp.float32)
    u = jax.random.normal(ks[3], (N_GRAPHS, D_U), dtype=jnp.float32)
    batch = jnp.sort(jax.random.randint(ks[4], (N_NODES,), 0, N_GRAPHS, dtype=jnp.int64))
    s1 = 1.0 / np.sqrt(IN_DIM_MLP1)
    W1 = jax.random.uniform(ks[5], (IN_DIM_MLP1, OUT_DIM), dtype=jnp.float32, minval=-s1, maxval=s1)
    b1 = jax.random.uniform(ks[6], (OUT_DIM,), dtype=jnp.float32, minval=-s1, maxval=s1)
    s2 = 1.0 / np.sqrt(IN_DIM_MLP2)
    W2 = jax.random.uniform(ks[7], (IN_DIM_MLP2, OUT_DIM), dtype=jnp.float32, minval=-s2, maxval=s2)
    b2 = jax.random.uniform(ks[8], (OUT_DIM,), dtype=jnp.float32, minval=-s2, maxval=s2)
    return {"x": x, "edge_index": edge_index, "edge_attr": edge_attr, "u": u, "batch": batch,
            "W1": W1, "b1": b1, "W2": W2, "b2": b2}


def reference(x, edge_index, edge_attr, u, batch, W1, b1, W2, b2):
    sources = jnp.take(x, edge_index[0], axis=0)
    dests = jnp.take(x, edge_index[1], axis=0)
    u_edge = jnp.take(u, jnp.take(batch, edge_index[0], axis=0), axis=0)
    edge_input = jnp.concatenate([sources, dests, edge_attr, u_edge], axis=-1)
    e = jax.nn.relu(edge_input @ W1 + b1)
    aggregated_out = jax.ops.segment_sum(e, edge_index[1], num_segments=x.shape[0])
    u_expanded = jnp.take(u, batch, axis=0)
    new_input = jnp.concatenate([x, aggregated_out, u_expanded], axis=1)
    output = jax.nn.relu(new_input @ W2 + b2)
    return output

if __name__ == "__main__":
    import jax
    _d = setup_inputs()
    print(jax.jit(kernel)(*tuple(_d.values())))

</pallas_src>

<mosaic_0001>
#map = affine_map<(d0, d1) -> (0, 0)>
#map1 = affine_map<(d0, d1) -> (0)>
#map2 = affine_map<(d0, d1) -> (0, 0, 0)>
module attributes {stable_mosaic.version = 14 : i64} {
  func.func @_sc_edge_body(%arg0: i32, %arg1: i32, %arg2: memref<10000x128xf32, #tpu.memory_space<hbm>>, %arg3: memref<10000x128xf32, #tpu.memory_space<hbm>>, %arg4: memref<320000x128xf32, #tpu.memory_space<hbm>>, %arg5: memref<320000xi32, #tpu.memory_space<hbm>>, %arg6: memref<320000xi32, #tpu.memory_space<hbm>>, %arg7: memref<10000x128xf32, #tpu.memory_space<hbm>>, %arg8: memref<2x10000x128xf32, #tpu.memory_space<hbm>>, %arg9: memref<40xi32, #tpu.memory_space<vmem>>, %arg10: memref<40xi32, #tpu.memory_space<vmem>>, %arg11: memref<40xi32, #tpu.memory_space<vmem>>, %arg12: memref<40xi32, #tpu.memory_space<vmem>>, %arg13: memref<40x128xf32, #tpu.memory_space<vmem>>, %arg14: memref<40x128xf32, #tpu.memory_space<vmem>>, %arg15: memref<40x128xf32, #tpu.memory_space<vmem>>, %arg16: memref<40x128xf32, #tpu.memory_space<vmem>>, %arg17: memref<40x128xf32, #tpu.memory_space<vmem>>, %arg18: memref<40x128xf32, #tpu.memory_space<vmem>>, %arg19: memref<10000x128xf32, #tpu.memory_space<vmem_shared>>, %arg20: memref<!tpu.dma_semaphore, #tpu.memory_space<semaphore_mem>>, %arg21: memref<!tpu.dma_semaphore, #tpu.memory_space<semaphore_mem>>) attributes {dimension_semantics = [#tpu.dimension_semantics<core_parallel>, #tpu.dimension_semantics<subcore_parallel>], iteration_bounds = array<i64: 2, 16>, scalar_prefetch = 0 : i64, scratch_operands = 13 : i64, tpu.core_type = #tpu.core_type<sc_vector_subcore>, window_params = [{transform_indices = #map}, {transform_indices = #map}, {transform_indices = #map}, {transform_indices = #map1}, {transform_indices = #map1}, {transform_indices = #map}, {transform_indices = #map2}]} {
    %mul3A = arith.constant 16 : i32
    %mul3A_0 = arith.muli %arg0, %mul3A : i32
    %add3A = arith.addi %mul3A_0, %arg1 : i32
    %lt3A = arith.constant 10 : i32
    %lt3A_1 = arith.cmpi slt, %arg1, %lt3A : i32
    %convert_element_type3A = arith.extui %lt3A_1 : i1 to i32
    %cond3A = arith.constant 0 : i32
    %cond3A_2 = arith.cmpi ne, %convert_element_type3A, %cond3A : i32
    scf.if %cond3A_2 {
      %mul3A_96 = arith.constant 1000 : i32
      %mul3A_97 = arith.muli %arg1, %mul3A_96 : i32
      %mul3A_98 = arith.constant 1000 : i32
      %mul3A_99 = arith.muli %arg1, %mul3A_98 : i32
      "tpu.region"() ({
        %run_scoped3A = tpu.sem_alloc : memref<!tpu.dma_semaphore, #tpu.memory_space<semaphore_mem>>
        %dma_start3A_100 = arith.constant 0 : i32
        %dma_start3A_101 = tpu.memref_slice %arg19[%mul3A_99, %dma_start3A_100] : memref<10000x128xf32, #tpu.memory_space<vmem_shared>> -> memref<1000x128xf32, #tpu.memory_space<vmem_shared>>
        %dma_start3A_102 = arith.constant 0 : i32
        %dma_start3A_103 = tpu.memref_slice %arg7[%mul3A_97, %dma_start3A_102] : memref<10000x128xf32, #tpu.memory_space<hbm>> -> memref<1000x128xf32, #tpu.memory_space<hbm>>
        tpu.enqueue_dma source(%dma_start3A_103 : memref<1000x128xf32, #tpu.memory_space<hbm>>) target(%dma_start3A_101 : memref<1000x128xf32, #tpu.memory_space<vmem_shared>>) target_semaphore(%run_scoped3A : memref<!tpu.dma_semaphore, #tpu.memory_space<semaphore_mem>>)
        %dma_wait3A_104 = arith.constant 0 : i32
        %dma_wait3A_105 = tpu.memref_slice %arg19[%mul3A_99, %dma_wait3A_104] : memref<10000x128xf32, #tpu.memory_space<vmem_shared>> -> memref<1000x128xf32, #tpu.memory_space<vmem_shared>>
        %dma_wait3A_106 = arith.constant 0 : i32
        %dma_wait3A_107 = tpu.memref_slice %arg7[%mul3A_97, %dma_wait3A_106] : memref<10000x128xf32, #tpu.memory_space<hbm>> -> memref<1000x128xf32, #tpu.memory_space<hbm>>
        tpu.wait_dma2 semaphore(%run_scoped3A : memref<!tpu.dma_semaphore, #tpu.memory_space<semaphore_mem>>) src(%dma_wait3A_107 : memref<1000x128xf32, #tpu.memory_space<hbm>>) dst(%dma_wait3A_105 : memref<1000x128xf32, #tpu.memory_space<vmem_shared>>)
        tpu.yield
      }) : () -> ()
    } else {
    }
    %barrier3A = arith.constant 0 : index
    tpu.barrier barrier_id(%barrier3A)
    %mul3A_3 = arith.constant 10000 : i32
    %mul3A_4 = arith.muli %add3A, %mul3A_3 : i32
    %add3A_5 = arith.constant 0 : i32
    %add3A_6 = arith.addi %mul3A_4, %add3A_5 : i32
    "tpu.region"() ({
      %run_scoped3A = tpu.sem_alloc : memref<!tpu.dma_semaphore, #tpu.memory_space<semaphore_mem>>
      %dma_start3A_96 = tpu.memref_slice %arg5[%add3A_6] : memref<320000xi32, #tpu.memory_space<hbm>> -> memref<40xi32, #tpu.memory_space<hbm>>
      %dma_start3A_97 = tpu.memref_slice %arg5[%add3A_6] : memref<320000xi32, #tpu.memory_space<hbm>> -> memref<40xi32, #tpu.memory_space<hbm>>
      tpu.enqueue_dma source(%dma_start3A_97 : memref<40xi32, #tpu.memory_space<hbm>>) target(%arg9 : memref<40xi32, #tpu.memory_space<vmem>>) target_semaphore(%run_scoped3A : memref<!tpu.dma_semaphore, #tpu.memory_space<semaphore_mem>>)
      %dma_wait3A_98 = tpu.memref_slice %arg5[%add3A_6] : memref<320000xi32, #tpu.memory_space<hbm>> -> memref<40xi32, #tpu.memory_space<hbm>>
      %dma_wait3A_99 = tpu.memref_slice %arg5[%add3A_6] : memref<320000xi32, #tpu.memory_space<hbm>> -> memref<40xi32, #tpu.memory_space<hbm>>
      tpu.wait_dma2 semaphore(%run_scoped3A : memref<!tpu.dma_semaphore, #tpu.memory_space<semaphore_mem>>) src(%dma_wait3A_99 : memref<40xi32, #tpu.memory_space<hbm>>) dst(%arg9 : memref<40xi32, #tpu.memory_space<vmem>>)
      tpu.yield
    }) : () -> ()
    "tpu.region"() ({
      %run_scoped3A = tpu.sem_alloc : memref<!tpu.dma_semaphore, #tpu.memory_space<semaphore_mem>>
      %dma_start3A_96 = tpu.memref_slice %arg6[%add3A_6] : memref<320000xi32, #tpu.memory_space<hbm>> -> memref<40xi32, #tpu.memory_space<hbm>>
      %dma_start3A_97 = tpu.memref_slice %arg6[%add3A_6] : memref<320000xi32, #tpu.memory_space<hbm>> -> memref<40xi32, #tpu.memory_space<hbm>>
      tpu.enqueue_dma source(%dma_start3A_97 : memref<40xi32, #tpu.memory_space<hbm>>) target(%arg10 : memref<40xi32, #tpu.memory_space<vmem>>) target_semaphore(%run_scoped3A : memref<!tpu.dma_semaphore, #tpu.memory_space<semaphore_mem>>)
      %dma_wait3A_98 = tpu.memref_slice %arg6[%add3A_6] : memref<320000xi32, #tpu.memory_space<hbm>> -> memref<40xi32, #tpu.memory_space<hbm>>
      %dma_wait3A_99 = tpu.memref_slice %arg6[%add3A_6] : memref<320000xi32, #tpu.memory_space<hbm>> -> memref<40xi32, #tpu.memory_space<hbm>>
      tpu.wait_dma2 semaphore(%run_scoped3A : memref<!tpu.dma_semaphore, #tpu.memory_space<semaphore_mem>>) src(%dma_wait3A_99 : memref<40xi32, #tpu.memory_space<hbm>>) dst(%arg10 : memref<40xi32, #tpu.memory_space<vmem>>)
      tpu.yield
    }) : () -> ()
    %dma_start3A = arith.constant 0 : i32
    %dma_start3A_7 = arith.constant 0 : i32
    %dma_start3A_8 = tpu.memref_slice %arg2[%dma_start3A, %dma_start3A_7] : memref<10000x128xf32, #tpu.memory_space<hbm>> -> memref<10000x128xf32, #tpu.memory_space<hbm>>
    tpu.enqueue_indirect_dma source(%dma_start3A_8 : memref<10000x128xf32, #tpu.memory_space<hbm>>) target(%arg13 : memref<40x128xf32, #tpu.memory_space<vmem>>) offsets(%arg9 : memref<40xi32, #tpu.memory_space<vmem>>) semaphore(%arg20 : memref<!tpu.dma_semaphore, #tpu.memory_space<semaphore_mem>>)
    %dma_start3A_9 = arith.constant 0 : i32
    %dma_start3A_10 = arith.constant 0 : i32
    %dma_start3A_11 = tpu.memref_slice %arg3[%dma_start3A_9, %dma_start3A_10] : memref<10000x128xf32, #tpu.memory_space<hbm>> -> memref<10000x128xf32, #tpu.memory_space<hbm>>
    tpu.enqueue_indirect_dma source(%dma_start3A_11 : memref<10000x128xf32, #tpu.memory_space<hbm>>) target(%arg14 : memref<40x128xf32, #tpu.memory_space<vmem>>) offsets(%arg10 : memref<40xi32, #tpu.memory_space<vmem>>) semaphore(%arg20 : memref<!tpu.dma_semaphore, #tpu.memory_space<semaphore_mem>>)
    %mul3A_12 = arith.constant 10000 : i32
    %mul3A_13 = arith.muli %add3A, %mul3A_12 : i32
    %add3A_14 = arith.constant 0 : i32
    %add3A_15 = arith.addi %mul3A_13, %add3A_14 : i32
    %dma_start3A_16 = arith.constant 0 : i32
    %dma_start3A_17 = tpu.memref_slice %arg4[%add3A_15, %dma_start3A_16] : memref<320000x128xf32, #tpu.memory_space<hbm>> -> memref<40x128xf32, #tpu.memory_space<hbm>>
    %dma_start3A_18 = arith.constant 0 : i32
    %dma_start3A_19 = tpu.memref_slice %arg4[%add3A_15, %dma_start3A_18] : memref<320000x128xf32, #tpu.memory_space<hbm>> -> memref<40x128xf32, #tpu.memory_space<hbm>>
    tpu.enqueue_dma source(%dma_start3A_19 : memref<40x128xf32, #tpu.memory_space<hbm>>) target(%arg15 : memref<40x128xf32, #tpu.memory_space<vmem>>) target_semaphore(%arg20 : memref<!tpu.dma_semaphore, #tpu.memory_space<semaphore_mem>>)
    %mul3A_20 = arith.constant 10000 : i32
    %mul3A_21 = arith.muli %add3A, %mul3A_20 : i32
    %add3A_22 = arith.constant 40 : i32
    %add3A_23 = arith.addi %mul3A_21, %add3A_22 : i32
    "tpu.region"() ({
      %run_scoped3A = tpu.sem_alloc : memref<!tpu.dma_semaphore, #tpu.memory_space<semaphore_mem>>
      %dma_start3A_96 = tpu.memref_slice %arg5[%add3A_23] : memref<320000xi32, #tpu.memory_space<hbm>> -> memref<40xi32, #tpu.memory_space<hbm>>
      %dma_start3A_97 = tpu.memref_slice %arg5[%add3A_23] : memref<320000xi32, #tpu.memory_space<hbm>> -> memref<40xi32, #tpu.memory_space<hbm>>
      tpu.enqueue_dma source(%dma_start3A_97 : memref<40xi32, #tpu.memory_space<hbm>>) target(%arg11 : memref<40xi32, #tpu.memory_space<vmem>>) target_semaphore(%run_scoped3A : memref<!tpu.dma_semaphore, #tpu.memory_space<semaphore_mem>>)
      %dma_wait3A_98 = tpu.memref_slice %arg5[%add3A_23] : memref<320000xi32, #tpu.memory_space<hbm>> -> memref<40xi32, #tpu.memory_space<hbm>>
      %dma_wait3A_99 = tpu.memref_slice %arg5[%add3A_23] : memref<320000xi32, #tpu.memory_space<hbm>> -> memref<40xi32, #tpu.memory_space<hbm>>
      tpu.wait_dma2 semaphore(%run_scoped3A : memref<!tpu.dma_semaphore, #tpu.memory_space<semaphore_mem>>) src(%dma_wait3A_99 : memref<40xi32, #tpu.memory_space<hbm>>) dst(%arg11 : memref<40xi32, #tpu.memory_space<vmem>>)
      tpu.yield
    }) : () -> ()
    "tpu.region"() ({
      %run_scoped3A = tpu.sem_alloc : memref<!tpu.dma_semaphore, #tpu.memory_space<semaphore_mem>>
      %dma_start3A_96 = tpu.memref_slice %arg6[%add3A_23] : memref<320000xi32, #tpu.memory_space<hbm>> -> memref<40xi32, #tpu.memory_space<hbm>>
      %dma_start3A_97 = tpu.memref_slice %arg6[%add3A_23] : memref<320000xi32, #tpu.memory_space<hbm>> -> memref<40xi32, #tpu.memory_space<hbm>>
      tpu.enqueue_dma source(%dma_start3A_97 : memref<40xi32, #tpu.memory_space<hbm>>) target(%arg12 : memref<40xi32, #tpu.memory_space<vmem>>) target_semaphore(%run_scoped3A : memref<!tpu.dma_semaphore, #tpu.memory_space<semaphore_mem>>)
      %dma_wait3A_98 = tpu.memref_slice %arg6[%add3A_23] : memref<320000xi32, #tpu.memory_space<hbm>> -> memref<40xi32, #tpu.memory_space<hbm>>
      %dma_wait3A_99 = tpu.memref_slice %arg6[%add3A_23] : memref<320000xi32, #tpu.memory_space<hbm>> -> memref<40xi32, #tpu.memory_space<hbm>>
      tpu.wait_dma2 semaphore(%run_scoped3A : memref<!tpu.dma_semaphore, #tpu.memory_space<semaphore_mem>>) src(%dma_wait3A_99 : memref<40xi32, #tpu.memory_space<hbm>>) dst(%arg12 : memref<40xi32, #tpu.memory_space<vmem>>)
      tpu.yield
    }) : () -> ()
    %scan3A = arith.constant 0 : i32
    %scan3A_24 = arith.constant 0 : i32
    %scan3A_25 = arith.constant 124 : i32
    %scan3A_26 = arith.addi %scan3A_24, %scan3A_25 : i32
    %scan3A_27 = arith.constant 1 : i32
    scf.for %scan3A_96 = %scan3A_24 to %scan3A_26 step %scan3A_27  : i32 {
      %mul3A_97 = arith.constant 2 : i32
      %mul3A_98 = arith.muli %mul3A_97, %scan3A_96 : i32
      %add3A_99 = arith.constant 1 : i32
      %add3A_100 = arith.addi %mul3A_98, %add3A_99 : i32
      %dma_start3A_101 = arith.constant 0 : i32
      %dma_start3A_102 = arith.constant 0 : i32
      %dma_start3A_103 = tpu.memref_slice %arg2[%dma_start3A_101, %dma_start3A_102] : memref<10000x128xf32, #tpu.memory_space<hbm>> -> memref<10000x128xf32, #tpu.memory_space<hbm>>
      tpu.enqueue_indirect_dma source(%dma_start3A_103 : memref<10000x128xf32, #tpu.memory_space<hbm>>) target(%arg16 : memref<40x128xf32, #tpu.memory_space<vmem>>) offsets(%arg11 : memref<40xi32, #tpu.memory_space<vmem>>) semaphore(%arg21 : memref<!tpu.dma_semaphore, #tpu.memory_space<semaphore_mem>>)
      %dma_start3A_104 = arith.constant 0 : i32
      %dma_start3A_105 = arith.constant 0 : i32
      %dma_start3A_106 = tpu.memref_slice %arg3[%dma_start3A_104, %dma_start3A_105] : memref<10000x128xf32, #tpu.memory_space<hbm>> -> memref<10000x128xf32, #tpu.memory_space<hbm>>
      tpu.enqueue_indirect_dma source(%dma_start3A_106 : memref<10000x128xf32, #tpu.memory_space<hbm>>) target(%arg17 : memref<40x128xf32, #tpu.memory_space<vmem>>) offsets(%arg12 : memref<40xi32, #tpu.memory_space<vmem>>) semaphore(%arg21 : memref<!tpu.dma_semaphore, #tpu.memory_space<semaphore_mem>>)
      %mul3A_107 = arith.constant 10000 : i32
      %mul3A_108 = arith.muli %add3A, %mul3A_107 : i32
      %mul3A_109 = arith.constant 40 : i32
      %mul3A_110 = arith.muli %add3A_100, %mul3A_109 : i32
      %add3A_111 = arith.addi %mul3A_108, %mul3A_110 : i32
      %dma_start3A_112 = arith.constant 0 : i32
      %dma_start3A_113 = tpu.memref_slice %arg4[%add3A_111, %dma_start3A_112] : memref<320000x128xf32, #tpu.memory_space<hbm>> -> memref<40x128xf32, #tpu.memory_space<hbm>>
      %dma_start3A_114 = arith.constant 0 : i32
      %dma_start3A_115 = tpu.memref_slice %arg4[%add3A_111, %dma_start3A_114] : memref<320000x128xf32, #tpu.memory_space<hbm>> -> memref<40x128xf32, #tpu.memory_space<hbm>>
      tpu.enqueue_dma source(%dma_start3A_115 : memref<40x128xf32, #tpu.memory_space<hbm>>) target(%arg18 : memref<40x128xf32, #tpu.memory_space<vmem>>) target_semaphore(%arg21 : memref<!tpu.dma_semaphore, #tpu.memory_space<semaphore_mem>>)
      %dma_wait3A_116 = arith.constant 0 : i32
      %dma_wait3A_117 = arith.constant 0 : i32
      %dma_wait3A_118 = tpu.memref_slice %arg4[%dma_wait3A_116, %dma_wait3A_117] : memref<320000x128xf32, #tpu.memory_space<hbm>> -> memref<40x128xf32, #tpu.memory_space<hbm>>
      %dma_wait3A_119 = arith.constant 0 : i32
      %dma_wait3A_120 = arith.constant 0 : i32
      %dma_wait3A_121 = tpu.memref_slice %arg4[%dma_wait3A_119, %dma_wait3A_120] : memref<320000x128xf32, #tpu.memory_space<hbm>> -> memref<40x128xf32, #tpu.memory_space<hbm>>
      tpu.wait_dma2 semaphore(%arg20 : memref<!tpu.dma_semaphore, #tpu.memory_space<semaphore_mem>>) src(%dma_wait3A_121 : memref<40x128xf32, #tpu.memory_space<hbm>>) dst(%arg13 : memref<40x128xf32, #tpu.memory_space<vmem>>)
      %dma_wait3A_122 = arith.constant 0 : i32
      %dma_wait3A_123 = arith.constant 0 : i32
      %dma_wait3A_124 = tpu.memref_slice %arg4[%dma_wait3A_122, %dma_wait3A_123] : memref<320000x128xf32, #tpu.memory_space<hbm>> -> memref<40x128xf32, #tpu.memory_space<hbm>>
      %dma_wait3A_125 = arith.constant 0 : i32
      %dma_wait3A_126 = arith.constant 0 : i32
      %dma_wait3A_127 = tpu.memref_slice %arg4[%dma_wait3A_125, %dma_wait3A_126] : memref<320000x128xf32, #tpu.memory_space<hbm>> -> memref<40x128xf32, #tpu.memory_space<hbm>>
      tpu.wait_dma2 semaphore(%arg20 : memref<!tpu.dma_semaphore, #tpu.memory_space<semaphore_mem>>) src(%dma_wait3A_127 : memref<40x128xf32, #tpu.memory_space<hbm>>) dst(%arg14 : memref<40x128xf32, #tpu.memory_space<vmem>>)
      %dma_wait3A_128 = arith.constant 0 : i32
      %dma_wait3A_129 = arith.constant 0 : i32
      %dma_wait3A_130 = tpu.memref_slice %arg4[%dma_wait3A_128, %dma_wait3A_129] : memref<320000x128xf32, #tpu.memory_space<hbm>> -> memref<40x128xf32, #tpu.memory_space<hbm>>
      %dma_wait3A_131 = arith.constant 0 : i32
      %dma_wait3A_132 = arith.constant 0 : i32
      %dma_wait3A_133 = tpu.memref_slice %arg4[%dma_wait3A_131, %dma_wait3A_132] : memref<320000x128xf32, #tpu.memory_space<hbm>> -> memref<40x128xf32, #tpu.memory_space<hbm>>
      tpu.wait_dma2 semaphore(%arg20 : memref<!tpu.dma_semaphore, #tpu.memory_space<semaphore_mem>>) src(%dma_wait3A_133 : memref<40x128xf32, #tpu.memory_space<hbm>>) dst(%arg15 : memref<40x128xf32, #tpu.memory_space<vmem>>)
      %scan3A_134 = arith.constant 0 : i32
      %scan3A_135 = arith.constant 0 : i32
      %scan3A_136 = arith.constant 40 : i32
      %scan3A_137 = arith.addi %scan3A_135, %scan3A_136 : i32
      %scan3A_138 = arith.constant 1 : i32
      scf.for %scan3A_195 = %scan3A_135 to %scan3A_137 step %scan3A_138  : i32 {
        %get3A = arith.index_cast %scan3A_195 : i32 to index
        %get3A_196 = arith.constant 0 : index
        %get3A_197 = tpu.vector_load %arg13[%get3A, %get3A_196] {strides = array<i32>} : memref<40x128xf32, #tpu.memory_space<vmem>>, vector<1x16xf32>,
        %get3A_198 = vector.shape_cast %get3A_197 : vector<1x16xf32> to vector<16xf32>
        %get3A_199 = arith.index_cast %scan3A_195 : i32 to index
        %get3A_200 = arith.constant 0 : index
        %get3A_201 = tpu.vector_load %arg14[%get3A_199, %get3A_200] {strides = array<i32>} : memref<40x128xf32, #tpu.memory_space<vmem>>, vector<1x16xf32>,
        %get3A_202 = vector.shape_cast %get3A_201 : vector<1x16xf32> to vector<16xf32>
        %add3A_203 = arith.addf %get3A_198, %get3A_202 : vector<16xf32>
        %get3A_204 = arith.index_cast %scan3A_195 : i32 to index
        %get3A_205 = arith.constant 0 : index
        %get3A_206 = tpu.vector_load %arg15[%get3A_204, %get3A_205] {strides = array<i32>} : memref<40x128xf32, #tpu.memory_space<vmem>>, vector<1x16xf32>,
        %get3A_207 = vector.shape_cast %get3A_206 : vector<1x16xf32> to vector<16xf32>
        %add3A_208 = arith.addf %add3A_203, %get3A_207 : vector<16xf32>
        %max3A = arith.constant 0.000000e+00 : f32
        %max3A_209 = vector.broadcast %max3A : f32 to vector<16xf32>
        %max3A_210 = arith.maximumf %add3A_208, %max3A_209 : vector<16xf32>
        %swap3A = arith.index_cast %scan3A_195 : i32 to index
        %swap3A_211 = arith.constant 0 : index
        %swap3A_212 = tpu.vector_load %arg15[%swap3A, %swap3A_211] {strides = array<i32>} : memref<40x128xf32, #tpu.memory_space<vmem>>, vector<1x16xf32>,
        %swap3A_213 = vector.shape_cast %swap3A_212 : vector<1x16xf32> to vector<16xf32>
        %swap3A_214 = vector.shape_cast %max3A_210 : vector<16xf32> to vector<1x16xf32>
        tpu.vector_store %arg15[%swap3A, %swap3A_211], %swap3A_214 {strides = array<i32>} : memref<40x128xf32, #tpu.memory_space<vmem>>, vector<1x16xf32>,
        %get3A_215 = arith.index_cast %scan3A_195 : i32 to index
        %get3A_216 = arith.constant 16 : index
        %get3A_217 = tpu.vector_load %arg13[%get3A_215, %get3A_216] {strides = array<i32>} : memref<40x128xf32, #tpu.memory_space<vmem>>, vector<1x16xf32>,
        %get3A_218 = vector.shape_cast %get3A_217 : vector<1x16xf32> to vector<16xf32>
        %get3A_219 = arith.index_cast %scan3A_195 : i32 to index
        %get3A_220 = arith.constant 16 : index
        %get3A_221 = tpu.vector_load %arg14[%get3A_219, %get3A_220] {strides = array<i32>} : memref<40x128xf32, #tpu.memory_space<vmem>>, vector<1x16xf32>,
        %get3A_222 = vector.shape_cast %get3A_221 : vector<1x16xf32> to vector<16xf32>
        %add3A_223 = arith.addf %get3A_218, %get3A_222 : vector<16xf32>
        %get3A_224 = arith.index_cast %scan3A_195 : i32 to index
        %get3A_225 = arith.constant 16 : index
        %get3A_226 = tpu.vector_load %arg15[%get3A_224, %get3A_225] {strides = array<i32>} : memref<40x128xf32, #tpu.memory_space<vmem>>, vector<1x16xf32>,
        %get3A_227 = vector.shape_cast %get3A_226 : vector<1x16xf32> to vector<16xf32>
        %add3A_228 = arith.addf %add3A_223, %get3A_227 : vector<16xf32>
        %max3A_229 = arith.constant 0.000000e+00 : f32
        %max3A_230 = vector.broadcast %max3A_229 : f32 to vector<16xf32>
        %max3A_231 = arith.maximumf %add3A_228, %max3A_230 : vector<16xf32>
        %swap3A_232 = arith.index_cast %scan3A_195 : i32 to index
        %swap3A_233 = arith.constant 16 : index
        %swap3A_234 = tpu.vector_load %arg15[%swap3A_232, %swap3A_233] {strides = array<i32>} : memref<40x128xf32, #tpu.memory_space<vmem>>, vector<1x16xf32>,
        %swap3A_235 = vector.shape_cast %swap3A_234 : vector<1x16xf32> to vector<16xf32>
        %swap3A_236 = vector.shape_cast %max3A_231 : vector<16xf32> to vector<1x16xf32>
        tpu.vector_store %arg15[%swap3A_232, %swap3A_233], %swap3A_236 {strides = array<i32>} : memref<40x128xf32, #tpu.memory_space<vmem>>, vector<1x16xf32>,
        %get3A_237 = arith.index_cast %scan3A_195 : i32 to index
        %get3A_238 = arith.constant 32 : index
        %get3A_239 = tpu.vector_load %arg13[%get3A_237, %get3A_238] {strides = array<i32>} : memref<40x128xf32, #tpu.memory_space<vmem>>, vector<1x16xf32>,
        %get3A_240 = vector.shape_cast %get3A_239 : vector<1x16xf32> to vector<16xf32>
        %get3A_241 = arith.index_cast %scan3A_195 : i32 to index
        %get3A_242 = arith.constant 32 : index
        %get3A_243 = tpu.vector_load %arg14[%get3A_241, %get3A_242] {strides = array<i32>} : memref<40x128xf32, #tpu.memory_space<vmem>>, vector<1x16xf32>,
        %get3A_244 = vector.shape_cast %get3A_243 : vector<1x16xf32> to vector<16xf32>
        %add3A_245 = arith.addf %get3A_240, %get3A_244 : vector<16xf32>
        %get3A_246 = arith.index_cast %scan3A_195 : i32 to index
        %get3A_247 = arith.constant 32 : index
        %get3A_248 = tpu.vector_load %arg15[%get3A_246, %get3A_247] {strides = array<i32>} : memref<40x128xf32, #tpu.memory_space<vmem>>, vector<1x16xf32>,
        %get3A_249 = vector.shape_cast %get3A_248 : vector<1x16xf32> to vector<16xf32>
        %add3A_250 = arith.addf %add3A_245, %get3A_249 : vector<16xf32>
        %max3A_251 = arith.constant 0.000000e+00 : f32
        %max3A_252 = vector.broadcast %max3A_251 : f32 to vector<16xf32>
        %max3A_253 = arith.maximumf %add3A_250, %max3A_252 : vector<16xf32>
        %swap3A_254 = arith.index_cast %scan3A_195 : i32 to index
        %swap3A_255 = arith.constant 32 : index
        %swap3A_256 = tpu.vector_load %arg15[%swap3A_254, %swap3A_255] {strides = array<i32>} : memref<40x128xf32, #tpu.memory_space<vmem>>, vector<1x16xf32>,
        %swap3A_257 = vector.shape_cast %swap3A_256 : vector<1x16xf32> to vector<16xf32>
        %swap3A_258 = vector.shape_cast %max3A_253 : vector<16xf32> to vector<1x16xf32>
        tpu.vector_store %arg15[%swap3A_254, %swap3A_255], %swap3A_258 {strides = array<i32>} : memref<40x128xf32, #tpu.memory_space<vmem>>, vector<1x16xf32>,
        %get3A_259 = arith.index_cast %scan3A_195 : i32 to index
        %get3A_260 = arith.constant 48 : index
        %get3A_261 = tpu.vector_load %arg13[%get3A_259, %get3A_260] {strides = array<i32>} : memref<40x128xf32, #tpu.memory_space<vmem>>, vector<1x16xf32>,
        %get3A_262 = vector.shape_cast %get3A_261 : vector<1x16xf32> to vector<16xf32>
        %get3A_263 = arith.index_cast %scan3A_195 : i32 to index
        %get3A_264 = arith.constant 48 : index
        %get3A_265 = tpu.vector_load %arg14[%get3A_263, %get3A_264] {strides = array<i32>} : memref<40x128xf32, #tpu.memory_space<vmem>>, vector<1x16xf32>,
        %get3A_266 = vector.shape_cast %get3A_265 : vector<1x16xf32> to vector<16xf32>
        %add3A_267 = arith.addf %get3A_262, %get3A_266 : vector<16xf32>
        %get3A_268 = arith.index_cast %scan3A_195 : i32 to index
        %get3A_269 = arith.constant 48 : index
        %get3A_270 = tpu.vector_load %arg15[%get3A_268, %get3A_269] {strides = array<i32>} : memref<40x128xf32, #tpu.memory_space<vmem>>, vector<1x16xf32>,
        %get3A_271 = vector.shape_cast %get3A_270 : vector<1x16xf32> to vector<16xf32>
        %add3A_272 = arith.addf %add3A_267, %get3A_271 : vector<16xf32>
        %max3A_273 = arith.constant 0.000000e+00 : f32
        %max3A_274 = vector.broadcast %max3A_273 : f32 to vector<16xf32>
        %max3A_275 = arith.maximumf %add3A_272, %max3A_274 : vector<16xf32>
        %swap3A_276 = arith.index_cast %scan3A_195 : i32 to index
        %swap3A_277 = arith.constant 48 : index
        %swap3A_278 = tpu.vector_load %arg15[%swap3A_276, %swap3A_277] {strides = array<i32>} : memref<40x128xf32, #tpu.memory_space<vmem>>, vector<1x16xf32>,
        %swap3A_279 = vector.shape_cast %swap3A_278 : vector<1x16xf32> to vector<16xf32>
        %swap3A_280 = vector.shape_cast %max3A_275 : vector<16xf32> to vector<1x16xf32>
        tpu.vector_store %arg15[%swap3A_276, %swap3A_277], %swap3A_280 {strides = array<i32>} : memref<40x128xf32, #tpu.memory_space<vmem>>, vector<1x16xf32>,
        %get3A_281 = arith.index_cast %scan3A_195 : i32 to index
        %get3A_282 = arith.constant 64 : index
        %get3A_283 = tpu.vector_load %arg13[%get3A_281, %get3A_282] {strides = array<i32>} : memref<40x128xf32, #tpu.memory_space<vmem>>, vector<1x16xf32>,
        %get3A_284 = vector.shape_cast %get3A_283 : vector<1x16xf32> to vector<16xf32>
        %get3A_285 = arith.index_cast %scan3A_195 : i32 to index
        %get3A_286 = arith.constant 64 : index
        %get3A_287 = tpu.vector_load %arg14[%get3A_285, %get3A_286] {strides = array<i32>} : memref<40x128xf32, #tpu.memory_space<vmem>>, vector<1x16xf32>,
        %get3A_288 = vector.shape_cast %get3A_287 : vector<1x16xf32> to vector<16xf32>
        %add3A_289 = arith.addf %get3A_284, %get3A_288 : vector<16xf32>
        %get3A_290 = arith.index_cast %scan3A_195 : i32 to index
        %get3A_291 = arith.constant 64 : index
        %get3A_292 = tpu.vector_load %arg15[%get3A_290, %get3A_291] {strides = array<i32>} : memref<40x128xf32, #tpu.memory_space<vmem>>, vector<1x16xf32>,
        %get3A_293 = vector.shape_cast %get3A_292 : vector<1x16xf32> to vector<16xf32>
        %add3A_294 = arith.addf %add3A_289, %get3A_293 : vector<16xf32>
        %max3A_295 = arith.constant 0.000000e+00 : f32
        %max3A_296 = vector.broadcast %max3A_295 : f32 to vector<16xf32>
        %max3A_297 = arith.maximumf %add3A_294, %max3A_296 : vector<16xf32>
        %swap3A_298 = arith.index_cast %scan3A_195 : i32 to index
        %swap3A_299 = arith.constant 64 : index
        %swap3A_300 = tpu.vector_load %arg15[%swap3A_298, %swap3A_299] {strides = array<i32>} : memref<40x128xf32, #tpu.memory_space<vmem>>, vector<1x16xf32>,
        %swap3A_301 = vector.shape_cast %swap3A_300 : vector<1x16xf32> to vector<16xf32>
        %swap3A_302 = vector.shape_cast %max3A_297 : vector<16xf32> to vector<1x16xf32>
        tpu.vector_store %arg15[%swap3A_298, %swap3A_299], %swap3A_302 {strides = array<i32>} : memref<40x128xf32, #tpu.memory_space<vmem>>, vector<1x16xf32>,
        %get3A_303 = arith.index_cast %scan3A_195 : i32 to index
        %get3A_304 = arith.constant 80 : index
        %get3A_305 = tpu.vector_load %arg13[%get3A_303, %get3A_304] {strides = array<i32>} : memref<40x128xf32, #tpu.memory_space<vmem>>, vector<1x16xf32>,
        %get3A_306 = vector.shape_cast %get3A_305 : vector<1x16xf32> to vector<16xf32>
        %get3A_307 = arith.index_cast %scan3A_195 : i32 to index
        %get3A_308 = arith.constant 80 : index
        %get3A_309 = tpu.vector_load %arg14[%get3A_307, %get3A_308] {strides = array<i32>} : memref<40x128xf32, #tpu.memory_space<vmem>>, vector<1x16xf32>,
        %get3A_310 = vector.shape_cast %get3A_309 : vector<1x16xf32> to vector<16xf32>
        %add3A_311 = arith.addf %get3A_306, %get3A_310 : vector<16xf32>
        %get3A_312 = arith.index_cast %scan3A_195 : i32 to index
        %get3A_313 = arith.constant 80 : index
        %get3A_314 = tpu.vector_load %arg15[%get3A_312, %get3A_313] {strides = array<i32>} : memref<40x128xf32, #tpu.memory_space<vmem>>, vector<1x16xf32>,
        %get3A_315 = vector.shape_cast %get3A_314 : vector<1x16xf32> to vector<16xf32>
        %add3A_316 = arith.addf %add3A_311, %get3A_315 : vector<16xf32>
        %max3A_317 = arith.constant 0.000000e+00 : f32
        %max3A_318 = vector.broadcast %max3A_317 : f32 to vector<16xf32>
        %max3A_319 = arith.maximumf %add3A_316, %max3A_318 : vector<16xf32>
        %swap3A_320 = arith.index_cast %scan3A_195 : i32 to index
        %swap3A_321 = arith.constant 80 : index
        %swap3A_322 = tpu.vector_load %arg15[%swap3A_320, %swap3A_321] {strides = array<i32>} : memref<40x128xf32, #tpu.memory_space<vmem>>, vector<1x16xf32>,
        %swap3A_323 = vector.shape_cast %swap3A_322 : vector<1x16xf32> to vector<16xf32>
        %swap3A_324 = vector.shape_cast %max3A_319 : vector<16xf32> to vector<1x16xf32>
        tpu.vector_store %arg15[%swap3A_320, %swap3A_321], %swap3A_324 {strides = array<i32>} : memref<40x128xf32, #tpu.memory_space<vmem>>, vector<1x16xf32>,
        %get3A_325 = arith.index_cast %scan3A_195 : i32 to index
        %get3A_326 = arith.constant 96 : index
        %get3A_327 = tpu.vector_load %arg13[%get3A_325, %get3A_326] {strides = array<i32>} : memref<40x128xf32, #tpu.memory_space<vmem>>, vector<1x16xf32>,
        %get3A_328 = vector.shape_cast %get3A_327 : vector<1x16xf32> to vector<16xf32>
        %get3A_329 = arith.index_cast %scan3A_195 : i32 to index
        %get3A_330 = arith.constant 96 : index
        %get3A_331 = tpu.vector_load %arg14[%get3A_329, %get3A_330] {strides = array<i32>} : memref<40x128xf32, #tpu.memory_space<vmem>>, vector<1x16xf32>,
        %get3A_332 = vector.shape_cast %get3A_331 : vector<1x16xf32> to vector<16xf32>
        %add3A_333 = arith.addf %get3A_328, %get3A_332 : vector<16xf32>
        %get3A_334 = arith.index_cast %scan3A_195 : i32 to index
        %get3A_335 = arith.constant 96 : index
        %get3A_336 = tpu.vector_load %arg15[%get3A_334, %get3A_335] {strides = array<i32>} : memref<40x128xf32, #tpu.memory_space<vmem>>, vector<1x16xf32>,
        %get3A_337 = vector.shape_cast %get3A_336 : vector<1x16xf32> to vector<16xf32>
        %add3A_338 = arith.addf %add3A_333, %get3A_337 : vector<16xf32>
        %max3A_339 = arith.constant 0.000000e+00 : f32
        %max3A_340 = vector.broadcast %max3A_339 : f32 to vector<16xf32>
        %max3A_341 = arith.maximumf %add3A_338, %max3A_340 : vector<16xf32>
        %swap3A_342 = arith.index_cast %scan3A_195 : i32 to index
        %swap3A_343 = arith.constant 96 : index
        %swap3A_344 = tpu.vector_load %arg15[%swap3A_342, %swap3A_343] {strides = array<i32>} : memref<40x128xf32, #tpu.memory_space<vmem>>, vector<1x16xf32>,
        %swap3A_345 = vector.shape_cast %swap3A_344 : vector<1x16xf32> to vector<16xf32>
        %swap3A_346 = vector.shape_cast %max3A_341 : vector<16xf32> to vector<1x16xf32>
        tpu.vector_store %arg15[%swap3A_342, %swap3A_343], %swap3A_346 {strides = array<i32>} : memref<40x128xf32, #tpu.memory_space<vmem>>, vector<1x16xf32>,
        %get3A_347 = arith.index_cast %scan3A_195 : i32 to index
        %get3A_348 = arith.constant 112 : index
        %get3A_349 = tpu.vector_load %arg13[%get3A_347, %get3A_348] {strides = array<i32>} : memref<40x128xf32, #tpu.memory_space<vmem>>, vector<1x16xf32>,
        %get3A_350 = vector.shape_cast %get3A_349 : vector<1x16xf32> to vector<16xf32>
        %get3A_351 = arith.index_cast %scan3A_195 : i32 to index
        %get3A_352 = arith.constant 112 : index
        %get3A_353 = tpu.vector_load %arg14[%get3A_351, %get3A_352] {strides = array<i32>} : memref<40x128xf32, #tpu.memory_space<vmem>>, vector<1x16xf32>,
        %get3A_354 = vector.shape_cast %get3A_353 : vector<1x16xf32> to vector<16xf32>
        %add3A_355 = arith.addf %get3A_350, %get3A_354 : vector<16xf32>
        %get3A_356 = arith.index_cast %scan3A_195 : i32 to index
        %get3A_357 = arith.constant 112 : index
        %get3A_358 = tpu.vector_load %arg15[%get3A_356, %get3A_357] {strides = array<i32>} : memref<40x128xf32, #tpu.memory_space<vmem>>, vector<1x16xf32>,
        %get3A_359 = vector.shape_cast %get3A_358 : vector<1x16xf32> to vector<16xf32>
        %add3A_360 = arith.addf %add3A_355, %get3A_359 : vector<16xf32>
        %max3A_361 = arith.constant 0.000000e+00 : f32
        %max3A_362 = vector.broadcast %max3A_361 : f32 to vector<16xf32>
        %max3A_363 = arith.maximumf %add3A_360, %max3A_362 : vector<16xf32>
        %swap3A_364 = arith.index_cast %scan3A_195 : i32 to index
        %swap3A_365 = arith.constant 112 : index
        %swap3A_366 = tpu.vector_load %arg15[%swap3A_364, %swap3A_365] {strides = array<i32>} : memref<40x128xf32, #tpu.memory_space<vmem>>, vector<1x16xf32>,
        %swap3A_367 = vector.shape_cast %swap3A_366 : vector<1x16xf32> to vector<16xf32>
        %swap3A_368 = vector.shape_cast %max3A_363 : vector<16xf32> to vector<1x16xf32>
        tpu.vector_store %arg15[%swap3A_364, %swap3A_365], %swap3A_368 {strides = array<i32>} : memref<40x128xf32, #tpu.memory_space<vmem>>, vector<1x16xf32>,
      }
      %scan3A_139 = arith.constant 40 : i32
      "tpu.region"() ({
        %run_scoped3A = tpu.sem_alloc : memref<!tpu.dma_semaphore, #tpu.memory_space<semaphore_mem>>
        %dma_start3A_195 = arith.constant 0 : i32
        %dma_start3A_196 = arith.constant 0 : i32
        %dma_start3A_197 = tpu.memref_slice %arg19[%dma_start3A_195, %dma_start3A_196] : memref<10000x128xf32, #tpu.memory_space<vmem_shared>> -> memref<10000x128xf32, #tpu.memory_space<vmem_shared>>
        tpu.enqueue_indirect_dma source(%arg15 : memref<40x128xf32, #tpu.memory_space<vmem>>) target(%dma_start3A_197 : memref<10000x128xf32, #tpu.memory_space<vmem_shared>>) offsets(%arg10 : memref<40xi32, #tpu.memory_space<vmem>>) semaphore(%run_scoped3A : memref<!tpu.dma_semaphore, #tpu.memory_space<semaphore_mem>>) {add = true}
        %dma_wait3A_198 = arith.constant 0 : i32
        %dma_wait3A_199 = arith.constant 0 : i32
        %dma_wait3A_200 = tpu.memref_slice %arg19[%dma_wait3A_198, %dma_wait3A_199] : memref<10000x128xf32, #tpu.memory_space<vmem_shared>> -> memref<10000x128xf32, #tpu.memory_space<vmem_shared>>
        tpu.wait_indirect_dma semaphore(%run_scoped3A : memref<!tpu.dma_semaphore, #tpu.memory_space<semaphore_mem>>) src(%arg15 : memref<40x128xf32, #tpu.memory_space<vmem>>) dst(%dma_wait3A_200 : memref<10000x128xf32, #tpu.memory_space<vmem_shared>>)
        tpu.yield
      }) : () -> ()
      %add3A_140 = arith.constant 2 : i32
      %add3A_141 = arith.addi %mul3A_98, %add3A_140 : i32
      %mul3A_142 = arith.constant 10000 : i32
      %mul3A_143 = arith.muli %add3A, %mul3A_142 : i32
      %mul3A_144 = arith.constant 40 : i32
      %mul3A_145 = arith.muli %add3A_141, %mul3A_144 : i32
      %add3A_146 = arith.addi %mul3A_143, %mul3A_145 : i32
      "tpu.region"() ({
        %run_scoped3A = tpu.sem_alloc : memref<!tpu.dma_semaphore, #tpu.memory_space<semaphore_mem>>
        %dma_start3A_195 = tpu.memref_slice %arg5[%add3A_146] : memref<320000xi32, #tpu.memory_space<hbm>> -> memref<40xi32, #tpu.memory_space<hbm>>
        %dma_start3A_196 = tpu.memref_slice %arg5[%add3A_146] : memref<320000xi32, #tpu.memory_space<hbm>> -> memref<40xi32, #tpu.memory_space<hbm>>
        tpu.enqueue_dma source(%dma_start3A_196 : memref<40xi32, #tpu.memory_space<hbm>>) target(%arg9 : memref<40xi32, #tpu.memory_space<vmem>>) target_semaphore(%run_scoped3A : memref<!tpu.dma_semaphore, #tpu.memory_space<semaphore_mem>>)
        %dma_wait3A_197 = tpu.memref_slice %arg5[%add3A_146] : memref<320000xi32, #tpu.memory_space<hbm>> -> memref<40xi32, #tpu.memory_space<hbm>>
        %dma_wait3A_198 = tpu.memref_slice %arg5[%add3A_146] : memref<320000xi32, #tpu.memory_space<hbm>> -> memref<40xi32, #tpu.memory_space<hbm>>
        tpu.wait_dma2 semaphore(%run_scoped3A : memref<!tpu.dma_semaphore, #tpu.memory_space<semaphore_mem>>) src(%dma_wait3A_198 : memref<40xi32, #tpu.memory_space<hbm>>) dst(%arg9 : memref<40xi32, #tpu.memory_space<vmem>>)
        tpu.yield
      }) : () -> ()
      "tpu.region"() ({
        %run_scoped3A = tpu.sem_alloc : memref<!tpu.dma_semaphore, #tpu.memory_space<semaphore_mem>>
        %dma_start3A_195 = tpu.memref_slice %arg6[%add3A_146] : memref<320000xi32, #tpu.memory_space<hbm>> -> memref<40xi32, #tpu.memory_space<hbm>>
        %dma_start3A_196 = tpu.memref_slice %arg6[%add3A_146] : memref<320000xi32, #tpu.memory_space<hbm>> -> memref<40xi32, #tpu.memory_space<hbm>>
        tpu.enqueue_dma source(%dma_start3A_196 : memref<40xi32, #tpu.memory_space<hbm>>) target(%arg10 : memref<40xi32, #tpu.memory_space<vmem>>) target_semaphore(%run_scoped3A : memref<!tpu.dma_semaphore, #tpu.memory_space<semaphore_mem>>)
        %dma_wait3A_197 = tpu.memref_slice %arg6[%add3A_146] : memref<320000xi32, #tpu.memory_space<hbm>> -> memref<40xi32, #tpu.memory_space<hbm>>
        %dma_wait3A_198 = tpu.memref_slice %arg6[%add3A_146] : memref<320000xi32, #tpu.memory_space<hbm>> -> memref<40xi32, #tpu.memory_space<hbm>>
        tpu.wait_dma2 semaphore(%run_scoped3A : memref<!tpu.dma_semaphore, #tpu.memory_space<semaphore_mem>>) src(%dma_wait3A_198 : memref<40xi32, #tpu.memory_space<hbm>>) dst(%arg10 : memref<40xi32, #tpu.memory_space<vmem>>)
        tpu.yield
      }) : () -> ()
      %add3A_147 = arith.constant 2 : i32
      %add3A_148 = arith.addi %mul3A_98, %add3A_147 : i32
      %dma_start3A_149 = arith.constant 0 : i32
      %dma_start3A_150 = arith.constant 0 : i32
      %dma_start3A_151 = tpu.memref_slice %arg2[%dma_start3A_149, %dma_start3A_150] : memref<10000x128xf32, #tpu.memory_space<hbm>> -> memref<10000x128xf32, #tpu.memory_space<hbm>>
      tpu.enqueue_indirect_dma source(%dma_start3A_151 : memref<10000x128xf32, #tpu.memory_space<hbm>>) target(%arg13 : memref<40x128xf32, #tpu.memory_space<vmem>>) offsets(%arg9 : memref<40xi32, #tpu.memory_space<vmem>>) semaphore(%arg20 : memref<!tpu.dma_semaphore, #tpu.memory_space<semaphore_mem>>)
      %dma_start3A_152 = arith.constant 0 : i32
      %dma_start3A_153 = arith.constant 0 : i32
      %dma_start3A_154 = tpu.memref_slice %arg3[%dma_start3A_152, %dma_start3A_153] : memref<10000x128xf32, #tpu.memory_space<hbm>> -> memref<10000x128xf32, #tpu.memory_space<hbm>>
      tpu.enqueue_indirect_dma source(%dma_start3A_154 : memref<10000x128xf32, #tpu.memory_space<hbm>>) target(%arg14 : memref<40x128xf32, #tpu.memory_space<vmem>>) offsets(%arg10 : memref<40xi32, #tpu.memory_space<vmem>>) semaphore(%arg20 : memref<!tpu.dma_semaphore, #tpu.memory_space<semaphore_mem>>)
      %mul3A_155 = arith.constant 10000 : i32
      %mul3A_156 = arith.muli %add3A, %mul3A_155 : i32
      %mul3A_157 = arith.constant 40 : i32
      %mul3A_158 = arith.muli %add3A_148, %mul3A_157 : i32
      %add3A_159 = arith.addi %mul3A_156, %mul3A_158 : i32
      %dma_start3A_160 = arith.constant 0 : i32
      %dma_start3A_161 = tpu.memref_slice %arg4[%add3A_159, %dma_start3A_160] : memref<320000x128xf32, #tpu.memory_space<hbm>> -> memref<40x128xf32, #tpu.memory_space<hbm>>
      %dma_start3A_162 = arith.constant 0 : i32
      %dma_start3A_163 = tpu.memref_slice %arg4[%add3A_159, %dma_start3A_162] : memref<320000x128xf32, #tpu.memory_space<hbm>> -> memref<40x128xf32, #tpu.memory_space<hbm>>
      tpu.enqueue_dma source(%dma_start3A_163 : memref<40x128xf32, #tpu.memory_space<hbm>>) target(%arg15 : memref<40x128xf32, #tpu.memory_space<vmem>>) target_semaphore(%arg20 : memref<!tpu.dma_semaphore, #tpu.memory_space<semaphore_mem>>)
      %dma_wait3A_164 = arith.constant 0 : i32
      %dma_wait3A_165 = arith.constant 0 : i32
      %dma_wait3A_166 = tpu.memref_slice %arg4[%dma_wait3A_164, %dma_wait3A_165] : memref<320000x128xf32, #tpu.memory_space<hbm>> -> memref<40x128xf32, #tpu.memory_space<hbm>>
      %dma_wait3A_167 = arith.constant 0 : i32
      %dma_wait3A_168 = arith.constant 0 : i32
      %dma_wait3A_169 = tpu.memref_slice %arg4[%dma_wait3A_167, %dma_wait3A_168] : memref<320000x128xf32, #tpu.memory_space<hbm>> -> memref<40x128xf32, #tpu.memory_space<hbm>>
      tpu.wait_dma2 semaphore(%arg21 : memref<!tpu.dma_semaphore, #tpu.memory_space<semaphore_mem>>) src(%dma_wait3A_169 : memref<40x128xf32, #tpu.memory_space<hbm>>) dst(%arg16 : memref<40x128xf32, #tpu.memory_space<vmem>>)
      %dma_wait3A_170 = arith.constant 0 : i32
      %dma_wait3A_171 = arith.constant 0 : i32
      %dma_wait3A_172 = tpu.memref_slice %arg4[%dma_wait3A_170, %dma_wait3A_171] : memref<320000x128xf32, #tpu.memory_space<hbm>> -> memref<40x128xf32, #tpu.memory_space<hbm>>
      %dma_wait3A_173 = arith.constant 0 : i32
      %dma_wait3A_174 = arith.constant 0 : i32
      %dma_wait3A_175 = tpu.memref_slice %arg4[%dma_wait3A_173, %dma_wait3A_174] : memref<320000x128xf32, #tpu.memory_space<hbm>> -> memref<40x128xf32, #tpu.memory_space<hbm>>
      tpu.wait_dma2 semaphore(%arg21 : memref<!tpu.dma_semaphore, #tpu.memory_space<semaphore_mem>>) src(%dma_wait3A_175 : memref<40x128xf32, #tpu.memory_space<hbm>>) dst(%arg17 : memref<40x128xf32, #tpu.memory_space<vmem>>)
      %dma_wait3A_176 = arith.constant 0 : i32
      %dma_wait3A_177 = arith.constant 0 : i32
      %dma_wait3A_178 = tpu.memref_slice %arg4[%dma_wait3A_176, %dma_wait3A_177] : memref<320000x128xf32, #tpu.memory_space<hbm>> -> memref<40x128xf32, #tpu.memory_space<hbm>>
      %dma_wait3A_179 = arith.constant 0 : i32
      %dma_wait3A_180 = arith.constant 0 : i32
      %dma_wait3A_181 = tpu.memref_slice %arg4[%dma_wait3A_179, %dma_wait3A_180] : memref<320000x128xf32, #tpu.memory_space<hbm>> -> memref<40x128xf32, #tpu.memory_space<hbm>>
      tpu.wait_dma2 semaphore(%arg21 : memref<!tpu.dma_semaphore, #tpu.memory_space<semaphore_mem>>) src(%dma_wait3A_181 : memref<40x128xf32, #tpu.memory_space<hbm>>) dst(%arg18 : memref<40x128xf32, #tpu.memory_space<vmem>>)
      %scan3A_182 = arith.constant 0 : i32
      %scan3A_183 = arith.constant 0 : i32
      %scan3A_184 = arith.constant 40 : i32
      %scan3A_185 = arith.addi %scan3A_183, %scan3A_184 : i32
      %scan3A_186 = arith.constant 1 : i32
      scf.for %scan3A_195 = %scan3A_183 to %scan3A_185 step %scan3A_186  : i32 {
        %get3A = arith.index_cast %scan3A_195 : i32 to index
        %get3A_196 = arith.constant 0 : index
        %get3A_197 = tpu.vector_load %arg16[%get3A, %get3A_196] {strides = array<i32>} : memref<40x128xf32, #tpu.memory_space<vmem>>, vector<1x16xf32>,
        %get3A_198 = vector.shape_cast %get3A_197 : vector<1x16xf32> to vector<16xf32>
        %get3A_199 = arith.index_cast %scan3A_195 : i32 to index
        %get3A_200 = arith.constant 0 : index
        %get3A_201 = tpu.vector_load %arg17[%get3A_199, %get3A_200] {strides = array<i32>} : memref<40x128xf32, #tpu.memory_space<vmem>>, vector<1x16xf32>,
        %get3A_202 = vector.shape_cast %get3A_201 : vector<1x16xf32> to vector<16xf32>
        %add3A_203 = arith.addf %get3A_198, %get3A_202 : vector<16xf32>
        %get3A_204 = arith.index_cast %scan3A_195 : i32 to index
        %get3A_205 = arith.constant 0 : index
        %get3A_206 = tpu.vector_load %arg18[%get3A_204, %get3A_205] {strides = array<i32>} : memref<40x128xf32, #tpu.memory_space<vmem>>, vector<1x16xf32>,
        %get3A_207 = vector.shape_cast %get3A_206 : vector<1x16xf32> to vector<16xf32>
        %add3A_208 = arith.addf %add3A_203, %get3A_207 : vector<16xf32>
        %max3A = arith.constant 0.000000e+00 : f32
        %max3A_209 = vector.broadcast %max3A : f32 to vector<16xf32>
        %max3A_210 = arith.maximumf %add3A_208, %max3A_209 : vector<16xf32>
        %swap3A = arith.index_cast %scan3A_195 : i32 to index
        %swap3A_211 = arith.constant 0 : index
        %swap3A_212 = tpu.vector_load %arg18[%swap3A, %swap3A_211] {strides = array<i32>} : memref<40x128xf32, #tpu.memory_space<vmem>>, vector<1x16xf32>,
        %swap3A_213 = vector.shape_cast %swap3A_212 : vector<1x16xf32> to vector<16xf32>
        %swap3A_214 = vector.shape_cast %max3A_210 : vector<16xf32> to vector<1x16xf32>
        tpu.vector_store %arg18[%swap3A, %swap3A_211], %swap3A_214 {strides = array<i32>} : memref<40x128xf32, #tpu.memory_space<vmem>>, vector<1x16xf32>,
        %get3A_215 = arith.index_cast %scan3A_195 : i32 to index
        %get3A_216 = arith.constant 16 : index
        %get3A_217 = tpu.vector_load %arg16[%get3A_215, %get3A_216] {strides = array<i32>} : memref<40x128xf32, #tpu.memory_space<vmem>>, vector<1x16xf32>,
        %get3A_218 = vector.shape_cast %get3A_217 : vector<1x16xf32> to vector<16xf32>
        %get3A_219 = arith.index_cast %scan3A_195 : i32 to index
        %get3A_220 = arith.constant 16 : index
        %get3A_221 = tpu.vector_load %arg17[%get3A_219, %get3A_220] {strides = array<i32>} : memref<40x128xf32, #tpu.memory_space<vmem>>, vector<1x16xf32>,
        %get3A_222 = vector.shape_cast %get3A_221 : vector<1x16xf32> to vector<16xf32>
        %add3A_223 = arith.addf %get3A_218, %get3A_222 : vector<16xf32>
        %get3A_224 = arith.index_cast %scan3A_195 : i32 to index
        %get3A_225 = arith.constant 16 : index
        %get3A_226 = tpu.vector_load %arg18[%get3A_224, %get3A_225] {strides = array<i32>} : memref<40x128xf32, #tpu.memory_space<vmem>>, vector<1x16xf32>,
        %get3A_227 = vector.shape_cast %get3A_226 : vector<1x16xf32> to vector<16xf32>
        %add3A_228 = arith.addf %add3A_223, %get3A_227 : vector<16xf32>
        %max3A_229 = arith.constant 0.000000e+00 : f32
        %max3A_230 = vector.broadcast %max3A_229 : f32 to vector<16xf32>
        %max3A_231 = arith.maximumf %add3A_228, %max3A_230 : vector<16xf32>
        %swap3A_232 = arith.index_cast %scan3A_195 : i32 to index
        %swap3A_233 = arith.constant 16 : index
        %swap3A_234 = tpu.vector_load %arg18[%swap3A_232, %swap3A_233] {strides = array<i32>} : memref<40x128xf32, #tpu.memory_space<vmem>>, vector<1x16xf32>,
        %swap3A_235 = vector.shape_cast %swap3A_234 : vector<1x16xf32> to vector<16xf32>
        %swap3A_236 = vector.shape_cast %max3A_231 : vector<16xf32> to vector<1x16xf32>
        tpu.vector_store %arg18[%swap3A_232, %swap3A_233], %swap3A_236 {strides = array<i32>} : memref<40x128xf32, #tpu.memory_space<vmem>>, vector<1x16xf32>,
        %get3A_237 = arith.index_cast %scan3A_195 : i32 to index
        %get3A_238 = arith.constant 32 : index
        %get3A_239 = tpu.vector_load %arg16[%get3A_237, %get3A_238] {strides = array<i32>} : memref<40x128xf32, #tpu.memory_space<vmem>>, vector<1x16xf32>,
        %get3A_240 = vector.shape_cast %get3A_239 : vector<1x16xf32> to vector<16xf32>
        %get3A_241 = arith.index_cast %scan3A_195 : i32 to index
        %get3A_242 = arith.constant 32 : index
        %get3A_243 = tpu.vector_load %arg17[%get3A_241, %get3A_242] {strides = array<i32>} : memref<40x128xf32, #tpu.memory_space<vmem>>, vector<1x16xf32>,
        %get3A_244 = vector.shape_cast %get3A_243 : vector<1x16xf32> to vector<16xf32>
        %add3A_245 = arith.addf %get3A_240, %get3A_244 : vector<16xf32>
        %get3A_246 = arith.index_cast %scan3A_195 : i32 to index
        %get3A_247 = arith.constant 32 : index
        %get3A_248 = tpu.vector_load %arg18[%get3A_246, %get3A_247] {strides = array<i32>} : memref<40x128xf32, #tpu.memory_space<vmem>>, vector<1x16xf32>,
        %get3A_249 = vector.shape_cast %get3A_248 : vector<1x16xf32> to vector<16xf32>
        %add3A_250 = arith.addf %add3A_245, %get3A_249 : vector<16xf32>
        %max3A_251 = arith.constant 0.000000e+00 : f32
        %max3A_252 = vector.broadcast %max3A_251 : f32 to vector<16xf32>
        %max3A_253 = arith.maximumf %add3A_250, %max3A_252 : vector<16xf32>
        %swap3A_254 = arith.index_cast %scan3A_195 : i32 to index
        %swap3A_255 = arith.constant 32 : index
        %swap3A_256 = tpu.vector_load %arg18[%swap3A_254, %swap3A_255] {strides = array<i32>} : memref<40x128xf32, #tpu.memory_space<vmem>>, vector<1x16xf32>,
        %swap3A_257 = vector.shape_cast %swap3A_256 : vector<1x16xf32> to vector<16xf32>
        %swap3A_258 = vector.shape_cast %max3A_253 : vector<16xf32> to vector<1x16xf32>
        tpu.vector_store %arg18[%swap3A_254, %swap3A_255], %swap3A_258 {strides = array<i32>} : memref<40x128xf32, #tpu.memory_space<vmem>>, vector<1x16xf32>,
        %get3A_259 = arith.index_cast %scan3A_195 : i32 to index
        %get3A_260 = arith.constant 48 : index
        %get3A_261 = tpu.vector_load %arg16[%get3A_259, %get3A_260] {strides = array<i32>} : memref<40x128xf32, #tpu.memory_space<vmem>>, vector<1x16xf32>,
        %get3A_262 = vector.shape_cast %get3A_261 : vector<1x16xf32> to vector<16xf32>
        %get3A_263 = arith.index_cast %scan3A_195 : i32 to index
        %get3A_264 = arith.constant 48 : index
        %get3A_265 = tpu.vector_load %arg17[%get3A_263, %get3A_264] {strides = array<i32>} : memref<40x128xf32, #tpu.memory_space<vmem>>, vector<1x16xf32>,
        %get3A_266 = vector.shape_cast %get3A_265 : vector<1x16xf32> to vector<16xf32>
        %add3A_267 = arith.addf %get3A_262, %get3A_266 : vector<16xf32>
        %get3A_268 = arith.index_cast %scan3A_195 : i32 to index
        %get3A_269 = arith.constant 48 : index
        %get3A_270 = tpu.vector_load %arg18[%get3A_268, %get3A_269] {strides = array<i32>} : memref<40x128xf32, #tpu.memory_space<vmem>>, vector<1x16xf32>,
        %get3A_271 = vector.shape_cast %get3A_270 : vector<1x16xf32> to vector<16xf32>
        %add3A_272 = arith.addf %add3A_267, %get3A_271 : vector<16xf32>
        %max3A_273 = arith.constant 0.000000e+00 : f32
        %max3A_274 = vector.broadcast %max3A_273 : f32 to vector<16xf32>
        %max3A_275 = arith.maximumf %add3A_272, %max3A_274 : vector<16xf32>
        %swap3A_276 = arith.index_cast %scan3A_195 : i32 to index
        %swap3A_277 = arith.constant 48 : index
        %swap3A_278 = tpu.vector_load %arg18[%swap3A_276, %swap3A_277] {strides = array<i32>} : memref<40x128xf32, #tpu.memory_space<vmem>>, vector<1x16xf32>,
        %swap3A_279 = vector.shape_cast %swap3A_278 : vector<1x16xf32> to vector<16xf32>
        %swap3A_280 = vector.shape_cast %max3A_275 : vector<16xf32> to vector<1x16xf32>
        tpu.vector_store %arg18[%swap3A_276, %swap3A_277], %swap3A_280 {strides = array<i32>} : memref<40x128xf32, #tpu.memory_space<vmem>>, vector<1x16xf32>,
        %get3A_281 = arith.index_cast %scan3A_195 : i32 to index
        %get3A_282 = arith.constant 64 : index
        %get3A_283 = tpu.vector_load %arg16[%get3A_281, %get3A_282] {strides = array<i32>} : memref<40x128xf32, #tpu.memory_space<vmem>>, vector<1x16xf32>,
        %get3A_284 = vector.shape_cast %get3A_283 : vector<1x16xf32> to vector<16xf32>
        %get3A_285 = arith.index_cast %scan3A_195 : i32 to index
        %get3A_286 = arith.constant 64 : index
        %get3A_287 = tpu.vector_load %arg17[%get3A_285, %get3A_286] {strides = array<i32>} : memref<40x128xf32, #tpu.memory_space<vmem>>, vector<1x16xf32>,
        %get3A_288 = vector.shape_cast %get3A_287 : vector<1x16xf32> to vector<16xf32>
        %add3A_289 = arith.addf %get3A_284, %get3A_288 : vector<16xf32>
        %get3A_290 = arith.index_cast %scan3A_195 : i32 to index
        %get3A_291 = arith.constant 64 : index
        %get3A_292 = tpu.vector_load %arg18[%get3A_290, %get3A_291] {strides = array<i32>} : memref<40x128xf32, #tpu.memory_space<vmem>>, vector<1x16xf32>,
        %get3A_293 = vector.shape_cast %get3A_292 : vector<1x16xf32> to vector<16xf32>
        %add3A_294 = arith.addf %add3A_289, %get3A_293 : vector<16xf32>
        %max3A_295 = arith.constant 0.000000e+00 : f32
        %max3A_296 = vector.broadcast %max3A_295 : f32 to vector<16xf32>
        %max3A_297 = arith.maximumf %add3A_294, %max3A_296 : vector<16xf32>
        %swap3A_298 = arith.index_cast %scan3A_195 : i32 to index
        %swap3A_299 = arith.constant 64 : index
        %swap3A_300 = tpu.vector_load %arg18[%swap3A_298, %swap3A_299] {strides = array<i32>} : memref<40x128xf32, #tpu.memory_space<vmem>>, vector<1x16xf32>,
        %swap3A_301 = vector.shape_cast %swap3A_300 : vector<1x16xf32> to vector<16xf32>
        %swap3A_302 = vector.shape_cast %max3A_297 : vector<16xf32> to vector<1x16xf32>
        tpu.vector_store %arg18[%swap3A_298, %swap3A_299], %swap3A_302 {strides = array<i32>} : memref<40x128xf32, #tpu.memory_space<vmem>>, vector<1x16xf32>,
        %get3A_303 = arith.index_cast %scan3A_195 : i32 to index
        %get3A_304 = arith.constant 80 : index
        %get3A_305 = tpu.vector_load %arg16[%get3A_303, %get3A_304] {strides = array<i32>} : memref<40x128xf32, #tpu.memory_space<vmem>>, vector<1x16xf32>,
        %get3A_306 = vector.shape_cast %get3A_305 : vector<1x16xf32> to vector<16xf32>
        %get3A_307 = arith.index_cast %scan3A_195 : i32 to index
        %get3A_308 = arith.constant 80 : index
        %get3A_309 = tpu.vector_load %arg17[%get3A_307, %get3A_308] {strides = array<i32>} : memref<40x128xf32, #tpu.memory_space<vmem>>, vector<1x16xf32>,
        %get3A_310 = vector.shape_cast %get3A_309 : vector<1x16xf32> to vector<16xf32>
        %add3A_311 = arith.addf %get3A_306, %get3A_310 : vector<16xf32>
        %get3A_312 = arith.index_cast %scan3A_195 : i32 to index
        %get3A_313 = arith.constant 80 : index
        %get3A_314 = tpu.vector_load %arg18[%get3A_312, %get3A_313] {strides = array<i32>} : memref<40x128xf32, #tpu.memory_space<vmem>>, vector<1x16xf32>,
        %get3A_315 = vector.shape_cast %get3A_314 : vector<1x16xf32> to vector<16xf32>
        %add3A_316 = arith.addf %add3A_311, %get3A_315 : vector<16xf32>
        %max3A_317 = arith.constant 0.000000e+00 : f32
        %max3A_318 = vector.broadcast %max3A_317 : f32 to vector<16xf32>
        %max3A_319 = arith.maximumf %add3A_316, %max3A_318 : vector<16xf32>
        %swap3A_320 = arith.index_cast %scan3A_195 : i32 to index
        %swap3A_321 = arith.constant 80 : index
        %swap3A_322 = tpu.vector_load %arg18[%swap3A_320, %swap3A_321] {strides = array<i32>} : memref<40x128xf32, #tpu.memory_space<vmem>>, vector<1x16xf32>,
        %swap3A_323 = vector.shape_cast %swap3A_322 : vector<1x16xf32> to vector<16xf32>
        %swap3A_324 = vector.shape_cast %max3A_319 : vector<16xf32> to vector<1x16xf32>
        tpu.vector_store %arg18[%swap3A_320, %swap3A_321], %swap3A_324 {strides = array<i32>} : memref<40x128xf32, #tpu.memory_space<vmem>>, vector<1x16xf32>,
        %get3A_325 = arith.index_cast %scan3A_195 : i32 to index
        %get3A_326 = arith.constant 96 : index
        %get3A_327 = tpu.vector_load %arg16[%get3A_325, %get3A_326] {strides = array<i32>} : memref<40x128xf32, #tpu.memory_space<vmem>>, vector<1x16xf32>,
        %get3A_328 = vector.shape_cast %get3A_327 : vector<1x16xf32> to vector<16xf32>
        %get3A_329 = arith.index_cast %scan3A_195 : i32 to index
        %get3A_330 = arith.constant 96 : index
        %get3A_331 = tpu.vector_load %arg17[%get3A_329, %get3A_330] {strides = array<i32>} : memref<40x128xf32, #tpu.memory_space<vmem>>, vector<1x16xf32>,
        %get3A_332 = vector.shape_cast %get3A_331 : vector<1x16xf32> to vector<16xf32>
        %add3A_333 = arith.addf %get3A_328, %get3A_332 : vector<16xf32>
        %get3A_334 = arith.index_cast %scan3A_195 : i32 to index
        %get3A_335 = arith.constant 96 : index
        %get3A_336 = tpu.vector_load %arg18[%get3A_334, %get3A_335] {strides = array<i32>} : memref<40x128xf32, #tpu.memory_space<vmem>>, vector<1x16xf32>,
        %get3A_337 = vector.shape_cast %get3A_336 : vector<1x16xf32> to vector<16xf32>
        %add3A_338 = arith.addf %add3A_333, %get3A_337 : vector<16xf32>
        %max3A_339 = arith.constant 0.000000e+00 : f32
        %max3A_340 = vector.broadcast %max3A_339 : f32 to vector<16xf32>
        %max3A_341 = arith.maximumf %add3A_338, %max3A_340 : vector<16xf32>
        %swap3A_342 = arith.index_cast %scan3A_195 : i32 to index
        %swap3A_343 = arith.constant 96 : index
        %swap3A_344 = tpu.vector_load %arg18[%swap3A_342, %swap3A_343] {strides = array<i32>} : memref<40x128xf32, #tpu.memory_space<vmem>>, vector<1x16xf32>,
        %swap3A_345 = vector.shape_cast %swap3A_344 : vector<1x16xf32> to vector<16xf32>
        %swap3A_346 = vector.shape_cast %max3A_341 : vector<16xf32> to vector<1x16xf32>
        tpu.vector_store %arg18[%swap3A_342, %swap3A_343], %swap3A_346 {strides = array<i32>} : memref<40x128xf32, #tpu.memory_space<vmem>>, vector<1x16xf32>,
        %get3A_347 = arith.index_cast %scan3A_195 : i32 to index
        %get3A_348 = arith.constant 112 : index
        %get3A_349 = tpu.vector_load %arg16[%get3A_347, %get3A_348] {strides = array<i32>} : memref<40x128xf32, #tpu.memory_space<vmem>>, vector<1x16xf32>,
        %get3A_350 = vector.shape_cast %get3A_349 : vector<1x16xf32> to vector<16xf32>
        %get3A_351 = arith.index_cast %scan3A_195 : i32 to index
        %get3A_352 = arith.constant 112 : index
        %get3A_353 = tpu.vector_load %arg17[%get3A_351, %get3A_352] {strides = array<i32>} : memref<40x128xf32, #tpu.memory_space<vmem>>, vector<1x16xf32>,
        %get3A_354 = vector.shape_cast %get3A_353 : vector<1x16xf32> to vector<16xf32>
        %add3A_355 = arith.addf %get3A_350, %get3A_354 : vector<16xf32>
        %get3A_356 = arith.index_cast %scan3A_195 : i32 to index
        %get3A_357 = arith.constant 112 : index
        %get3A_358 = tpu.vector_load %arg18[%get3A_356, %get3A_357] {strides = array<i32>} : memref<40x128xf32, #tpu.memory_space<vmem>>, vector<1x16xf32>,
        %get3A_359 = vector.shape_cast %get3A_358 : vector<1x16xf32> to vector<16xf32>
        %add3A_360 = arith.addf %add3A_355, %get3A_359 : vector<16xf32>
        %max3A_361 = arith.constant 0.000000e+00 : f32
        %max3A_362 = vector.broadcast %max3A_361 : f32 to vector<16xf32>
        %max3A_363 = arith.maximumf %add3A_360, %max3A_362 : vector<16xf32>
        %swap3A_364 = arith.index_cast %scan3A_195 : i32 to index
        %swap3A_365 = arith.constant 112 : index
        %swap3A_366 = tpu.vector_load %arg18[%swap3A_364, %swap3A_365] {strides = array<i32>} : memref<40x128xf32, #tpu.memory_space<vmem>>, vector<1x16xf32>,
        %swap3A_367 = vector.shape_cast %swap3A_366 : vector<1x16xf32> to vector<16xf32>
        %swap3A_368 = vector.shape_cast %max3A_363 : vector<16xf32> to vector<1x16xf32>
        tpu.vector_store %arg18[%swap3A_364, %swap3A_365], %swap3A_368 {strides = array<i32>} : memref<40x128xf32, #tpu.memory_space<vmem>>, vector<1x16xf32>,
      }
      %scan3A_187 = arith.constant 40 : i32
      "tpu.region"() ({
        %run_scoped3A = tpu.sem_alloc : memref<!tpu.dma_semaphore, #tpu.memory_space<semaphore_mem>>
        %dma_start3A_195 = arith.constant 0 : i32
        %dma_start3A_196 = arith.constant 0 : i32
        %dma_start3A_197 = tpu.memref_slice %arg19[%dma_start3A_195, %dma_start3A_196] : memref<10000x128xf32, #tpu.memory_space<vmem_shared>> -> memref<10000x128xf32, #tpu.memory_space<vmem_shared>>
        tpu.enqueue_indirect_dma source(%arg18 : memref<40x128xf32, #tpu.memory_space<vmem>>) target(%dma_start3A_197 : memref<10000x128xf32, #tpu.memory_space<vmem_shared>>) offsets(%arg12 : memref<40xi32, #tpu.memory_space<vmem>>) semaphore(%run_scoped3A : memref<!tpu.dma_semaphore, #tpu.memory_space<semaphore_mem>>) {add = true}
        %dma_wait3A_198 = arith.constant 0 : i32
        %dma_wait3A_199 = arith.constant 0 : i32
        %dma_wait3A_200 = tpu.memref_slice %arg19[%dma_wait3A_198, %dma_wait3A_199] : memref<10000x128xf32, #tpu.memory_space<vmem_shared>> -> memref<10000x128xf32, #tpu.memory_space<vmem_shared>>
        tpu.wait_indirect_dma semaphore(%run_scoped3A : memref<!tpu.dma_semaphore, #tpu.memory_space<semaphore_mem>>) src(%arg18 : memref<40x128xf32, #tpu.memory_space<vmem>>) dst(%dma_wait3A_200 : memref<10000x128xf32, #tpu.memory_space<vmem_shared>>)
        tpu.yield
      }) : () -> ()
      %add3A_188 = arith.constant 3 : i32
      %add3A_189 = arith.addi %mul3A_98, %add3A_188 : i32
      %mul3A_190 = arith.constant 10000 : i32
      %mul3A_191 = arith.muli %add3A, %mul3A_190 : i32
      %mul3A_192 = arith.constant 40 : i32
      %mul3A_193 = arith.muli %add3A_189, %mul3A_192 : i32
      %add3A_194 = arith.addi %mul3A_191, %mul3A_193 : i32
      "tpu.region"() ({
        %run_scoped3A = tpu.sem_alloc : memref<!tpu.dma_semaphore, #tpu.memory_space<semaphore_mem>>
        %dma_start3A_195 = tpu.memref_slice %arg5[%add3A_194] : memref<320000xi32, #tpu.memory_space<hbm>> -> memref<40xi32, #tpu.memory_space<hbm>>
        %dma_start3A_196 = tpu.memref_slice %arg5[%add3A_194] : memref<320000xi32, #tpu.memory_space<hbm>> -> memref<40xi32, #tpu.memory_space<hbm>>
        tpu.enqueue_dma source(%dma_start3A_196 : memref<40xi32, #tpu.memory_space<hbm>>) target(%arg11 : memref<40xi32, #tpu.memory_space<vmem>>) target_semaphore(%run_scoped3A : memref<!tpu.dma_semaphore, #tpu.memory_space<semaphore_mem>>)
        %dma_wait3A_197 = tpu.memref_slice %arg5[%add3A_194] : memref<320000xi32, #tpu.memory_space<hbm>> -> memref<40xi32, #tpu.memory_space<hbm>>
        %dma_wait3A_198 = tpu.memref_slice %arg5[%add3A_194] : memref<320000xi32, #tpu.memory_space<hbm>> -> memref<40xi32, #tpu.memory_space<hbm>>
        tpu.wait_dma2 semaphore(%run_scoped3A : memref<!tpu.dma_semaphore, #tpu.memory_space<semaphore_mem>>) src(%dma_wait3A_198 : memref<40xi32, #tpu.memory_space<hbm>>) dst(%arg11 : memref<40xi32, #tpu.memory_space<vmem>>)
        tpu.yield
      }) : () -> ()
      "tpu.region"() ({
        %run_scoped3A = tpu.sem_alloc : memref<!tpu.dma_semaphore, #tpu.memory_space<semaphore_mem>>
        %dma_start3A_195 = tpu.memref_slice %arg6[%add3A_194] : memref<320000xi32, #tpu.memory_space<hbm>> -> memref<40xi32, #tpu.memory_space<hbm>>
        %dma_start3A_196 = tpu.memref_slice %arg6[%add3A_194] : memref<320000xi32, #tpu.memory_space<hbm>> -> memref<40xi32, #tpu.memory_space<hbm>>
        tpu.enqueue_dma source(%dma_start3A_196 : memref<40xi32, #tpu.memory_space<hbm>>) target(%arg12 : memref<40xi32, #tpu.memory_space<vmem>>) target_semaphore(%run_scoped3A : memref<!tpu.dma_semaphore, #tpu.memory_space<semaphore_mem>>)
        %dma_wait3A_197 = tpu.memref_slice %arg6[%add3A_194] : memref<320000xi32, #tpu.memory_space<hbm>> -> memref<40xi32, #tpu.memory_space<hbm>>
        %dma_wait3A_198 = tpu.memref_slice %arg6[%add3A_194] : memref<320000xi32, #tpu.memory_space<hbm>> -> memref<40xi32, #tpu.memory_space<hbm>>
        tpu.wait_dma2 semaphore(%run_scoped3A : memref<!tpu.dma_semaphore, #tpu.memory_space<semaphore_mem>>) src(%dma_wait3A_198 : memref<40xi32, #tpu.memory_space<hbm>>) dst(%arg12 : memref<40xi32, #tpu.memory_space<vmem>>)
        tpu.yield
      }) : () -> ()
    }
    %scan3A_28 = arith.constant 124 : i32
    %dma_start3A_29 = arith.constant 0 : i32
    %dma_start3A_30 = arith.constant 0 : i32
    %dma_start3A_31 = tpu.memref_slice %arg2[%dma_start3A_29, %dma_start3A_30] : memref<10000x128xf32, #tpu.memory_space<hbm>> -> memref<10000x128xf32, #tpu.memory_space<hbm>>
    tpu.enqueue_indirect_dma source(%dma_start3A_31 : memref<10000x128xf32, #tpu.memory_space<hbm>>) target(%arg16 : memref<40x128xf32, #tpu.memory_space<vmem>>) offsets(%arg11 : memref<40xi32, #tpu.memory_space<vmem>>) semaphore(%arg21 : memref<!tpu.dma_semaphore, #tpu.memory_space<semaphore_mem>>)
    %dma_start3A_32 = arith.constant 0 : i32
    %dma_start3A_33 = arith.constant 0 : i32
    %dma_start3A_34 = tpu.memref_slice %arg3[%dma_start3A_32, %dma_start3A_33] : memref<10000x128xf32, #tpu.memory_space<hbm>> -> memref<10000x128xf32, #tpu.memory_space<hbm>>
    tpu.enqueue_indirect_dma source(%dma_start3A_34 : memref<10000x128xf32, #tpu.memory_space<hbm>>) target(%arg17 : memref<40x128xf32, #tpu.memory_space<vmem>>) offsets(%arg12 : memref<40xi32, #tpu.memory_space<vmem>>) semaphore(%arg21 : memref<!tpu.dma_semaphore, #tpu.memory_space<semaphore_mem>>)
    %mul3A_35 = arith.constant 10000 : i32
    %mul3A_36 = arith.muli %add3A, %mul3A_35 : i32
    %add3A_37 = arith.constant 9960 : i32
    %add3A_38 = arith.addi %mul3A_36, %add3A_37 : i32
    %dma_start3A_39 = arith.constant 0 : i32
    %dma_start3A_40 = tpu.memref_slice %arg4[%add3A_38, %dma_start3A_39] : memref<320000x128xf32, #tpu.memory_space<hbm>> -> memref<40x128xf32, #tpu.memory_space<hbm>>
    %dma_start3A_41 = arith.constant 0 : i32
    %dma_start3A_42 = tpu.memref_slice %arg4[%add3A_38, %dma_start3A_41] : memref<320000x128xf32, #tpu.memory_space<hbm>> -> memref<40x128xf32, #tpu.memory_space<hbm>>
    tpu.enqueue_dma source(%dma_start3A_42 : memref<40x128xf32, #tpu.memory_space<hbm>>) target(%arg18 : memref<40x128xf32, #tpu.memory_space<vmem>>) target_semaphore(%arg21 : memref<!tpu.dma_semaphore, #tpu.memory_space<semaphore_mem>>)
    %dma_wait3A = arith.constant 0 : i32
    %dma_wait3A_43 = arith.constant 0 : i32
    %dma_wait3A_44 = tpu.memref_slice %arg4[%dma_wait3A, %dma_wait3A_43] : memref<320000x128xf32, #tpu.memory_space<hbm>> -> memref<40x128xf32, #tpu.memory_space<hbm>>
    %dma_wait3A_45 = arith.constant 0 : i32
    %dma_wait3A_46 = arith.constant 0 : i32
    %dma_wait3A_47 = tpu.memref_slice %arg4[%dma_wait3A_45, %dma_wait3A_46] : memref<320000x128xf32, #tpu.memory_space<hbm>> -> memref<40x128xf32, #tpu.memory_space<hbm>>
    tpu.wait_dma2 semaphore(%arg20 : memref<!tpu.dma_semaphore, #tpu.memory_space<semaphore_mem>>) src(%dma_wait3A_47 : memref<40x128xf32, #tpu.memory_space<hbm>>) dst(%arg13 : memref<40x128xf32, #tpu.memory_space<vmem>>)
    %dma_wait3A_48 = arith.constant 0 : i32
    %dma_wait3A_49 = arith.constant 0 : i32
    %dma_wait3A_50 = tpu.memref_slice %arg4[%dma_wait3A_48, %dma_wait3A_49] : memref<320000x128xf32, #tpu.memory_space<hbm>> -> memref<40x128xf32, #tpu.memory_space<hbm>>
    %dma_wait3A_51 = arith.constant 0 : i32
    %dma_wait3A_52 = arith.constant 0 : i32
    %dma_wait3A_53 = tpu.memref_slice %arg4[%dma_wait3A_51, %dma_wait3A_52] : memref<320000x128xf32, #tpu.memory_space<hbm>> -> memref<40x128xf32, #tpu.memory_space<hbm>>
    tpu.wait_dma2 semaphore(%arg20 : memref<!tpu.dma_semaphore, #tpu.memory_space<semaphore_mem>>) src(%dma_wait3A_53 : memref<40x128xf32, #tpu.memory_space<hbm>>) dst(%arg14 : memref<40x128xf32, #tpu.memory_space<vmem>>)
    %dma_wait3A_54 = arith.constant 0 : i32
    %dma_wait3A_55 = arith.constant 0 : i32
    %dma_wait3A_56 = tpu.memref_slice %arg4[%dma_wait3A_54, %dma_wait3A_55] : memref<320000x128xf32, #tpu.memory_space<hbm>> -> memref<40x128xf32, #tpu.memory_space<hbm>>
    %dma_wait3A_57 = arith.constant 0 : i32
    %dma_wait3A_58 = arith.constant 0 : i32
    %dma_wait3A_59 = tpu.memref_slice %arg4[%dma_wait3A_57, %dma_wait3A_58] : memref<320000x128xf32, #tpu.memory_space<hbm>> -> memref<40x128xf32, #tpu.memory_space<hbm>>
    tpu.wait_dma2 semaphore(%arg20 : memref<!tpu.dma_semaphore, #tpu.memory_space<semaphore_mem>>) src(%dma_wait3A_59 : memref<40x128xf32, #tpu.memory_space<hbm>>) dst(%arg15 : memref<40x128xf32, #tpu.memory_space<vmem>>)
    %scan3A_60 = arith.constant 0 : i32
    %scan3A_61 = arith.constant 0 : i32
    %scan3A_62 = arith.constant 40 : i32
    %scan3A_63 = arith.addi %scan3A_61, %scan3A_62 : i32
    %scan3A_64 = arith.constant 1 : i32
    scf.for %scan3A_96 = %scan3A_61 to %scan3A_63 step %scan3A_64  : i32 {
      %get3A = arith.index_cast %scan3A_96 : i32 to index
      %get3A_97 = arith.constant 0 : index
      %get3A_98 = tpu.vector_load %arg13[%get3A, %get3A_97] {strides = array<i32>} : memref<40x128xf32, #tpu.memory_space<vmem>>, vector<1x16xf32>,
      %get3A_99 = vector.shape_cast %get3A_98 : vector<1x16xf32> to vector<16xf32>
      %get3A_100 = arith.index_cast %scan3A_96 : i32 to index
      %get3A_101 = arith.constant 0 : index
      %get3A_102 = tpu.vector_load %arg14[%get3A_100, %get3A_101] {strides = array<i32>} : memref<40x128xf32, #tpu.memory_space<vmem>>, vector<1x16xf32>,
      %get3A_103 = vector.shape_cast %get3A_102 : vector<1x16xf32> to vector<16xf32>
      %add3A_104 = arith.addf %get3A_99, %get3A_103 : vector<16xf32>
      %get3A_105 = arith.index_cast %scan3A_96 : i32 to index
      %get3A_106 = arith.constant 0 : index
      %get3A_107 = tpu.vector_load %arg15[%get3A_105, %get3A_106] {strides = array<i32>} : memref<40x128xf32, #tpu.memory_space<vmem>>, vector<1x16xf32>,
      %get3A_108 = vector.shape_cast %get3A_107 : vector<1x16xf32> to vector<16xf32>
      %add3A_109 = arith.addf %add3A_104, %get3A_108 : vector<16xf32>
      %max3A = arith.constant 0.000000e+00 : f32
      %max3A_110 = vector.broadcast %max3A : f32 to vector<16xf32>
      %max3A_111 = arith.maximumf %add3A_109, %max3A_110 : vector<16xf32>
      %swap3A = arith.index_cast %scan3A_96 : i32 to index
      %swap3A_112 = arith.constant 0 : index
      %swap3A_113 = tpu.vector_load %arg15[%swap3A, %swap3A_112] {strides = array<i32>} : memref<40x128xf32, #tpu.memory_space<vmem>>, vector<1x16xf32>,
      %swap3A_114 = vector.shape_cast %swap3A_113 : vector<1x16xf32> to vector<16xf32>
      %swap3A_115 = vector.shape_cast %max3A_111 : vector<16xf32> to vector<1x16xf32>
      tpu.vector_store %arg15[%swap3A, %swap3A_112], %swap3A_115 {strides = array<i32>} : memref<40x128xf32, #tpu.memory_space<vmem>>, vector<1x16xf32>,
      %get3A_116 = arith.index_cast %scan3A_96 : i32 to index
      %get3A_117 = arith.constant 16 : index
      %get3A_118 = tpu.vector_load %arg13[%get3A_116, %get3A_117] {strides = array<i32>} : memref<40x128xf32, #tpu.memory_space<vmem>>, vector<1x16xf32>,
      %get3A_119 = vector.shape_cast %get3A_118 : vector<1x16xf32> to vector<16xf32>
      %get3A_120 = arith.index_cast %scan3A_96 : i32 to index
      %get3A_121 = arith.constant 16 : index
      %get3A_122 = tpu.vector_load %arg14[%get3A_120, %get3A_121] {strides = array<i32>} : memref<40x128xf32, #tpu.memory_space<vmem>>, vector<1x16xf32>,
      %get3A_123 = vector.shape_cast %get3A_122 : vector<1x16xf32> to vector<16xf32>
      %add3A_124 = arith.addf %get3A_119, %get3A_123 : vector<16xf32>
      %get3A_125 = arith.index_cast %scan3A_96 : i32 to index
      %get3A_126 = arith.constant 16 : index
      %get3A_127 = tpu.vector_load %arg15[%get3A_125, %get3A_126] {strides = array<i32>} : memref<40x128xf32, #tpu.memory_space<vmem>>, vector<1x16xf32>,
      %get3A_128 = vector.shape_cast %get3A_127 : vector<1x16xf32> to vector<16xf32>
      %add3A_129 = arith.addf %add3A_124, %get3A_128 : vector<16xf32>
      %max3A_130 = arith.constant 0.000000e+00 : f32
      %max3A_131 = vector.broadcast %max3A_130 : f32 to vector<16xf32>
      %max3A_132 = arith.maximumf %add3A_129, %max3A_131 : vector<16xf32>
      %swap3A_133 = arith.index_cast %scan3A_96 : i32 to index
      %swap3A_134 = arith.constant 16 : index
      %swap3A_135 = tpu.vector_load %arg15[%swap3A_133, %swap3A_134] {strides = array<i32>} : memref<40x128xf32, #tpu.memory_space<vmem>>, vector<1x16xf32>,
      %swap3A_136 = vector.shape_cast %swap3A_135 : vector<1x16xf32> to vector<16xf32>
      %swap3A_137 = vector.shape_cast %max3A_132 : vector<16xf32> to vector<1x16xf32>
      tpu.vector_store %arg15[%swap3A_133, %swap3A_134], %swap3A_137 {strides = array<i32>} : memref<40x128xf32, #tpu.memory_space<vmem>>, vector<1x16xf32>,
      %get3A_138 = arith.index_cast %scan3A_96 : i32 to index
      %get3A_139 = arith.constant 32 : index
      %get3A_140 = tpu.vector_load %arg13[%get3A_138, %get3A_139] {strides = array<i32>} : memref<40x128xf32, #tpu.memory_space<vmem>>, vector<1x16xf32>,
      %get3A_141 = vector.shape_cast %get3A_140 : vector<1x16xf32> to vector<16xf32>
      %get3A_142 = arith.index_cast %scan3A_96 : i32 to index
      %get3A_143 = arith.constant 32 : index
      %get3A_144 = tpu.vector_load %arg14[%get3A_142, %get3A_143] {strides = array<i32>} : memref<40x128xf32, #tpu.memory_space<vmem>>, vector<1x16xf32>,
      %get3A_145 = vector.shape_cast %get3A_144 : vector<1x16xf32> to vector<16xf32>
      %add3A_146 = arith.addf %get3A_141, %get3A_145 : vector<16xf32>
      %get3A_147 = arith.index_cast %scan3A_96 : i32 to index
      %get3A_148 = arith.constant 32 : index
      %get3A_149 = tpu.vector_load %arg15[%get3A_147, %get3A_148] {strides = array<i32>} : memref<40x128xf32, #tpu.memory_space<vmem>>, vector<1x16xf32>,
      %get3A_150 = vector.shape_cast %get3A_149 : vector<1x16xf32> to vector<16xf32>
      %add3A_151 = arith.addf %add3A_146, %get3A_150 : vector<16xf32>
      %max3A_152 = arith.constant 0.000000e+00 : f32
      %max3A_153 = vector.broadcast %max3A_152 : f32 to vector<16xf32>
      %max3A_154 = arith.maximumf %add3A_151, %max3A_153 : vector<16xf32>
      %swap3A_155 = arith.index_cast %scan3A_96 : i32 to index
      %swap3A_156 = arith.constant 32 : index
      %swap3A_157 = tpu.vector_load %arg15[%swap3A_155, %swap3A_156] {strides = array<i32>} : memref<40x128xf32, #tpu.memory_space<vmem>>, vector<1x16xf32>,
      %swap3A_158 = vector.shape_cast %swap3A_157 : vector<1x16xf32> to vector<16xf32>
      %swap3A_159 = vector.shape_cast %max3A_154 : vector<16xf32> to vector<1x16xf32>
      tpu.vector_store %arg15[%swap3A_155, %swap3A_156], %swap3A_159 {strides = array<i32>} : memref<40x128xf32, #tpu.memory_space<vmem>>, vector<1x16xf32>,
      %get3A_160 = arith.index_cast %scan3A_96 : i32 to index
      %get3A_161 = arith.constant 48 : index
      %get3A_162 = tpu.vector_load %arg13[%get3A_160, %get3A_161] {strides = array<i32>} : memref<40x128xf32, #tpu.memory_space<vmem>>, vector<1x16xf32>,
      %get3A_163 = vector.shape_cast %get3A_162 : vector<1x16xf32> to vector<16xf32>
      %get3A_164 = arith.index_cast %scan3A_96 : i32 to index
      %get3A_165 = arith.constant 48 : index
      %get3A_166 = tpu.vector_load %arg14[%get3A_164, %get3A_165] {strides = array<i32>} : memref<40x128xf32, #tpu.memory_space<vmem>>, vector<1x16xf32>,
      %get3A_167 = vector.shape_cast %get3A_166 : vector<1x16xf32> to vector<16xf32>
      %add3A_168 = arith.addf %get3A_163, %get3A_167 : vector<16xf32>
      %get3A_169 = arith.index_cast %scan3A_96 : i32 to index
      %get3A_170 = arith.constant 48 : index
      %get3A_171 = tpu.vector_load %arg15[%get3A_169, %get3A_170] {strides = array<i32>} : memref<40x128xf32, #tpu.memory_space<vmem>>, vector<1x16xf32>,
      %get3A_172 = vector.shape_cast %get3A_171 : vector<1x16xf32> to vector<16xf32>
      %add3A_173 = arith.addf %add3A_168, %get3A_172 : vector<16xf32>
      %max3A_174 = arith.constant 0.000000e+00 : f32
      %max3A_175 = vector.broadcast %max3A_174 : f32 to vector<16xf32>
      %max3A_176 = arith.maximumf %add3A_173, %max3A_175 : vector<16xf32>
      %swap3A_177 = arith.index_cast %scan3A_96 : i32 to index
      %swap3A_178 = arith.constant 48 : index
      %swap3A_179 = tpu.vector_load %arg15[%swap3A_177, %swap3A_178] {strides = array<i32>} : memref<40x128xf32, #tpu.memory_space<vmem>>, vector<1x16xf32>,
      %swap3A_180 = vector.shape_cast %swap3A_179 : vector<1x16xf32> to vector<16xf32>
      %swap3A_181 = vector.shape_cast %max3A_176 : vector<16xf32> to vector<1x16xf32>
      tpu.vector_store %arg15[%swap3A_177, %swap3A_178], %swap3A_181 {strides = array<i32>} : memref<40x128xf32, #tpu.memory_space<vmem>>, vector<1x16xf32>,
      %get3A_182 = arith.index_cast %scan3A_96 : i32 to index
      %get3A_183 = arith.constant 64 : index
      %get3A_184 = tpu.vector_load %arg13[%get3A_182, %get3A_183] {strides = array<i32>} : memref<40x128xf32, #tpu.memory_space<vmem>>, vector<1x16xf32>,
      %get3A_185 = vector.shape_cast %get3A_184 : vector<1x16xf32> to vector<16xf32>
      %get3A_186 = arith.index_cast %scan3A_96 : i32 to index
      %get3A_187 = arith.constant 64 : index
      %get3A_188 = tpu.vector_load %arg14[%get3A_186, %get3A_187] {strides = array<i32>} : memref<40x128xf32, #tpu.memory_space<vmem>>, vector<1x16xf32>,
      %get3A_189 = vector.shape_cast %get3A_188 : vector<1x16xf32> to vector<16xf32>
      %add3A_190 = arith.addf %get3A_185, %get3A_189 : vector<16xf32>
      %get3A_191 = arith.index_cast %scan3A_96 : i32 to index
      %get3A_192 = arith.constant 64 : index
      %get3A_193 = tpu.vector_load %arg15[%get3A_191, %get3A_192] {strides = array<i32>} : memref<40x128xf32, #tpu.memory_space<vmem>>, vector<1x16xf32>,
      %get3A_194 = vector.shape_cast %get3A_193 : vector<1x16xf32> to vector<16xf32>
      %add3A_195 = arith.addf %add3A_190, %get3A_194 : vector<16xf32>
      %max3A_196 = arith.constant 0.000000e+00 : f32
      %max3A_197 = vector.broadcast %max3A_196 : f32 to vector<16xf32>
      %max3A_198 = arith.maximumf %add3A_195, %max3A_197 : vector<16xf32>
      %swap3A_199 = arith.index_cast %scan3A_96 : i32 to index
      %swap3A_200 = arith.constant 64 : index
      %swap3A_201 = tpu.vector_load %arg15[%swap3A_199, %swap3A_200] {strides = array<i32>} : memref<40x128xf32, #tpu.memory_space<vmem>>, vector<1x16xf32>,
      %swap3A_202 = vector.shape_cast %swap3A_201 : vector<1x16xf32> to vector<16xf32>
      %swap3A_203 = vector.shape_cast %max3A_198 : vector<16xf32> to vector<1x16xf32>
      tpu.vector_store %arg15[%swap3A_199, %swap3A_200], %swap3A_203 {strides = array<i32>} : memref<40x128xf32, #tpu.memory_space<vmem>>, vector<1x16xf32>,
      %get3A_204 = arith.index_cast %scan3A_96 : i32 to index
      %get3A_205 = arith.constant 80 : index
      %get3A_206 = tpu.vector_load %arg13[%get3A_204, %get3A_205] {strides = array<i32>} : memref<40x128xf32, #tpu.memory_space<vmem>>, vector<1x16xf32>,
      %get3A_207 = vector.shape_cast %get3A_206 : vector<1x16xf32> to vector<16xf32>
      %get3A_208 = arith.index_cast %scan3A_96 : i32 to index
      %get3A_209 = arith.constant 80 : index
      %get3A_210 = tpu.vector_load %arg14[%get3A_208, %get3A_209] {strides = array<i32>} : memref<40x128xf32, #tpu.memory_space<vmem>>, vector<1x16xf32>,
      %get3A_211 = vector.shape_cast %get3A_210 : vector<1x16xf32> to vector<16xf32>
      %add3A_212 = arith.addf %get3A_207, %get3A_211 : vector<16xf32>
      %get3A_213 = arith.index_cast %scan3A_96 : i32 to index
      %get3A_214 = arith.constant 80 : index
      %get3A_215 = tpu.vector_load %arg15[%get3A_213, %get3A_214] {strides = array<i32>} : memref<40x128xf32, #tpu.memory_space<vmem>>, vector<1x16xf32>,
      %get3A_216 = vector.shape_cast %get3A_215 : vector<1x16xf32> to vector<16xf32>
      %add3A_217 = arith.addf %add3A_212, %get3A_216 : vector<16xf32>
      %max3A_218 = arith.constant 0.000000e+00 : f32
      %max3A_219 = vector.broadcast %max3A_218 : f32 to vector<16xf32>
      %max3A_220 = arith.maximumf %add3A_217, %max3A_219 : vector<16xf32>
      %swap3A_221 = arith.index_cast %scan3A_96 : i32 to index
      %swap3A_222 = arith.constant 80 : index
      %swap3A_223 = tpu.vector_load %arg15[%swap3A_221, %swap3A_222] {strides = array<i32>} : memref<40x128xf32, #tpu.memory_space<vmem>>, vector<1x16xf32>,
      %swap3A_224 = vector.shape_cast %swap3A_223 : vector<1x16xf32> to vector<16xf32>
      %swap3A_225 = vector.shape_cast %max3A_220 : vector<16xf32> to vector<1x16xf32>
      tpu.vector_store %arg15[%swap3A_221, %swap3A_222], %swap3A_225 {strides = array<i32>} : memref<40x128xf32, #tpu.memory_space<vmem>>, vector<1x16xf32>,
      %get3A_226 = arith.index_cast %scan3A_96 : i32 to index
      %get3A_227 = arith.constant 96 : index
      %get3A_228 = tpu.vector_load %arg13[%get3A_226, %get3A_227] {strides = array<i32>} : memref<40x128xf32, #tpu.memory_space<vmem>>, vector<1x16xf32>,
      %get3A_229 = vector.shape_cast %get3A_228 : vector<1x16xf32> to vector<16xf32>
      %get3A_230 = arith.index_cast %scan3A_96 : i32 to index
      %get3A_231 = arith.constant 96 : index
      %get3A_232 = tpu.vector_load %arg14[%get3A_230, %get3A_231] {strides = array<i32>} : memref<40x128xf32, #tpu.memory_space<vmem>>, vector<1x16xf32>,
      %get3A_233 = vector.shape_cast %get3A_232 : vector<1x16xf32> to vector<16xf32>
      %add3A_234 = arith.addf %get3A_229, %get3A_233 : vector<16xf32>
      %get3A_235 = arith.index_cast %scan3A_96 : i32 to index
      %get3A_236 = arith.constant 96 : index
      %get3A_237 = tpu.vector_load %arg15[%get3A_235, %get3A_236] {strides = array<i32>} : memref<40x128xf32, #tpu.memory_space<vmem>>, vector<1x16xf32>,
      %get3A_238 = vector.shape_cast %get3A_237 : vector<1x16xf32> to vector<16xf32>
      %add3A_239 = arith.addf %add3A_234, %get3A_238 : vector<16xf32>
      %max3A_240 = arith.constant 0.000000e+00 : f32
      %max3A_241 = vector.broadcast %max3A_240 : f32 to vector<16xf32>
      %max3A_242 = arith.maximumf %add3A_239, %max3A_241 : vector<16xf32>
      %swap3A_243 = arith.index_cast %scan3A_96 : i32 to index
      %swap3A_244 = arith.constant 96 : index
      %swap3A_245 = tpu.vector_load %arg15[%swap3A_243, %swap3A_244] {strides = array<i32>} : memref<40x128xf32, #tpu.memory_space<vmem>>, vector<1x16xf32>,
      %swap3A_246 = vector.shape_cast %swap3A_245 : vector<1x16xf32> to vector<16xf32>
      %swap3A_247 = vector.shape_cast %max3A_242 : vector<16xf32> to vector<1x16xf32>
      tpu.vector_store %arg15[%swap3A_243, %swap3A_244], %swap3A_247 {strides = array<i32>} : memref<40x128xf32, #tpu.memory_space<vmem>>, vector<1x16xf32>,
      %get3A_248 = arith.index_cast %scan3A_96 : i32 to index
      %get3A_249 = arith.constant 112 : index
      %get3A_250 = tpu.vector_load %arg13[%get3A_248, %get3A_249] {strides = array<i32>} : memref<40x128xf32, #tpu.memory_space<vmem>>, vector<1x16xf32>,
      %get3A_251 = vector.shape_cast %get3A_250 : vector<1x16xf32> to vector<16xf32>
      %get3A_252 = arith.index_cast %scan3A_96 : i32 to index
      %get3A_253 = arith.constant 112 : index
      %get3A_254 = tpu.vector_load %arg14[%get3A_252, %get3A_253] {strides = array<i32>} : memref<40x128xf32, #tpu.memory_space<vmem>>, vector<1x16xf32>,
      %get3A_255 = vector.shape_cast %get3A_254 : vector<1x16xf32> to vector<16xf32>
      %add3A_256 = arith.addf %get3A_251, %get3A_255 : vector<16xf32>
      %get3A_257 = arith.index_cast %scan3A_96 : i32 to index
      %get3A_258 = arith.constant 112 : index
      %get3A_259 = tpu.vector_load %arg15[%get3A_257, %get3A_258] {strides = array<i32>} : memref<40x128xf32, #tpu.memory_space<vmem>>, vector<1x16xf32>,
      %get3A_260 = vector.shape_cast %get3A_259 : vector<1x16xf32> to vector<16xf32>
      %add3A_261 = arith.addf %add3A_256, %get3A_260 : vector<16xf32>
      %max3A_262 = arith.constant 0.000000e+00 : f32
      %max3A_263 = vector.broadcast %max3A_262 : f32 to vector<16xf32>
      %max3A_264 = arith.maximumf %add3A_261, %max3A_263 : vector<16xf32>
      %swap3A_265 = arith.index_cast %scan3A_96 : i32 to index
      %swap3A_266 = arith.constant 112 : index
      %swap3A_267 = tpu.vector_load %arg15[%swap3A_265, %swap3A_266] {strides = array<i32>} : memref<40x128xf32, #tpu.memory_space<vmem>>, vector<1x16xf32>,
      %swap3A_268 = vector.shape_cast %swap3A_267 : vector<1x16xf32> to vector<16xf32>
      %swap3A_269 = vector.shape_cast %max3A_264 : vector<16xf32> to vector<1x16xf32>
      tpu.vector_store %arg15[%swap3A_265, %swap3A_266], %swap3A_269 {strides = array<i32>} : memref<40x128xf32, #tpu.memory_space<vmem>>, vector<1x16xf32>,
    }
    %scan3A_65 = arith.constant 40 : i32
    "tpu.region"() ({
      %run_scoped3A = tpu.sem_alloc : memref<!tpu.dma_semaphore, #tpu.memory_space<semaphore_mem>>
      %dma_start3A_96 = arith.constant 0 : i32
      %dma_start3A_97 = arith.constant 0 : i32
      %dma_start3A_98 = tpu.memref_slice %arg19[%dma_start3A_96, %dma_start3A_97] : memref<10000x128xf32, #tpu.memory_space<vmem_shared>> -> memref<10000x128xf32, #tpu.memory_space<vmem_shared>>
      tpu.enqueue_indirect_dma source(%arg15 : memref<40x128xf32, #tpu.memory_space<vmem>>) target(%dma_start3A_98 : memref<10000x128xf32, #tpu.memory_space<vmem_shared>>) offsets(%arg10 : memref<40xi32, #tpu.memory_space<vmem>>) semaphore(%run_scoped3A : memref<!tpu.dma_semaphore, #tpu.memory_space<semaphore_mem>>) {add = true}
      %dma_wait3A_99 = arith.constant 0 : i32
      %dma_wait3A_100 = arith.constant 0 : i32
      %dma_wait3A_101 = tpu.memref_slice %arg19[%dma_wait3A_99, %dma_wait3A_100] : memref<10000x128xf32, #tpu.memory_space<vmem_shared>> -> memref<10000x128xf32, #tpu.memory_space<vmem_shared>>
      tpu.wait_indirect_dma semaphore(%run_scoped3A : memref<!tpu.dma_semaphore, #tpu.memory_space<semaphore_mem>>) src(%arg15 : memref<40x128xf32, #tpu.memory_space<vmem>>) dst(%dma_wait3A_101 : memref<10000x128xf32, #tpu.memory_space<vmem_shared>>)
      tpu.yield
    }) : () -> ()
    %dma_wait3A_66 = arith.constant 0 : i32
    %dma_wait3A_67 = arith.constant 0 : i32
    %dma_wait3A_68 = tpu.memref_slice %arg4[%dma_wait3A_66, %dma_wait3A_67] : memref<320000x128xf32, #tpu.memory_space<hbm>> -> memref<40x128xf32, #tpu.memory_space<hbm>>
    %dma_wait3A_69 = arith.constant 0 : i32
    %dma_wait3A_70 = arith.constant 0 : i32
    %dma_wait3A_71 = tpu.memref_slice %arg4[%dma_wait3A_69, %dma_wait3A_70] : memref<320000x128xf32, #tpu.memory_space<hbm>> -> memref<40x128xf32, #tpu.memory_space<hbm>>
    tpu.wait_dma2 semaphore(%arg21 : memref<!tpu.dma_semaphore, #tpu.memory_space<semaphore_mem>>) src(%dma_wait3A_71 : memref<40x128xf32, #tpu.memory_space<hbm>>) dst(%arg16 : memref<40x128xf32, #tpu.memory_space<vmem>>)
    %dma_wait3A_72 = arith.constant 0 : i32
    %dma_wait3A_73 = arith.constant 0 : i32
    %dma_wait3A_74 = tpu.memref_slice %arg4[%dma_wait3A_72, %dma_wait3A_73] : memref<320000x128xf32, #tpu.memory_space<hbm>> -> memref<40x128xf32, #tpu.memory_space<hbm>>
    %dma_wait3A_75 = arith.constant 0 : i32
    %dma_wait3A_76 = arith.constant 0 : i32
    %dma_wait3A_77 = tpu.memref_slice %arg4[%dma_wait3A_75, %dma_wait3A_76] : memref<320000x128xf32, #tpu.memory_space<hbm>> -> memref<40x128xf32, #tpu.memory_space<hbm>>
    tpu.wait_dma2 semaphore(%arg21 : memref<!tpu.dma_semaphore, #tpu.memory_space<semaphore_mem>>) src(%dma_wait3A_77 : memref<40x128xf32, #tpu.memory_space<hbm>>) dst(%arg17 : memref<40x128xf32, #tpu.memory_space<vmem>>)
    %dma_wait3A_78 = arith.constant 0 : i32
    %dma_wait3A_79 = arith.constant 0 : i32
    %dma_wait3A_80 = tpu.memref_slice %arg4[%dma_wait3A_78, %dma_wait3A_79] : memref<320000x128xf32, #tpu.memory_space<hbm>> -> memref<40x128xf32, #tpu.memory_space<hbm>>
    %dma_wait3A_81 = arith.constant 0 : i32
    %dma_wait3A_82 = arith.constant 0 : i32
    %dma_wait3A_83 = tpu.memref_slice %arg4[%dma_wait3A_81, %dma_wait3A_82] : memref<320000x128xf32, #tpu.memory_space<hbm>> -> memref<40x128xf32, #tpu.memory_space<hbm>>
    tpu.wait_dma2 semaphore(%arg21 : memref<!tpu.dma_semaphore, #tpu.memory_space<semaphore_mem>>) src(%dma_wait3A_83 : memref<40x128xf32, #tpu.memory_space<hbm>>) dst(%arg18 : memref<40x128xf32, #tpu.memory_space<vmem>>)
    %scan3A_84 = arith.constant 0 : i32
    %scan3A_85 = arith.constant 0 : i32
    %scan3A_86 = arith.constant 40 : i32
    %scan3A_87 = arith.addi %scan3A_85, %scan3A_86 : i32
    %scan3A_88 = arith.constant 1 : i32
    scf.for %scan3A_96 = %scan3A_85 to %scan3A_87 step %scan3A_88  : i32 {
      %get3A = arith.index_cast %scan3A_96 : i32 to index
      %get3A_97 = arith.constant 0 : index
      %get3A_98 = tpu.vector_load %arg16[%get3A, %get3A_97] {strides = array<i32>} : memref<40x128xf32, #tpu.memory_space<vmem>>, vector<1x16xf32>,
      %get3A_99 = vector.shape_cast %get3A_98 : vector<1x16xf32> to vector<16xf32>
      %get3A_100 = arith.index_cast %scan3A_96 : i32 to index
      %get3A_101 = arith.constant 0 : index
      %get3A_102 = tpu.vector_load %arg17[%get3A_100, %get3A_101] {strides = array<i32>} : memref<40x128xf32, #tpu.memory_space<vmem>>, vector<1x16xf32>,
      %get3A_103 = vector.shape_cast %get3A_102 : vector<1x16xf32> to vector<16xf32>
      %add3A_104 = arith.addf %get3A_99, %get3A_103 : vector<16xf32>
      %get3A_105 = arith.index_cast %scan3A_96 : i32 to index
      %get3A_106 = arith.constant 0 : index
      %get3A_107 = tpu.vector_load %arg18[%get3A_105, %get3A_106] {strides = array<i32>} : memref<40x128xf32, #tpu.memory_space<vmem>>, vector<1x16xf32>,
      %get3A_108 = vector.shape_cast %get3A_107 : vector<1x16xf32> to vector<16xf32>
      %add3A_109 = arith.addf %add3A_104, %get3A_108 : vector<16xf32>
      %max3A = arith.constant 0.000000e+00 : f32
      %max3A_110 = vector.broadcast %max3A : f32 to vector<16xf32>
      %max3A_111 = arith.maximumf %add3A_109, %max3A_110 : vector<16xf32>
      %swap3A = arith.index_cast %scan3A_96 : i32 to index
      %swap3A_112 = arith.constant 0 : index
      %swap3A_113 = tpu.vector_load %arg18[%swap3A, %swap3A_112] {strides = array<i32>} : memref<40x128xf32, #tpu.memory_space<vmem>>, vector<1x16xf32>,
      %swap3A_114 = vector.shape_cast %swap3A_113 : vector<1x16xf32> to vector<16xf32>
      %swap3A_115 = vector.shape_cast %max3A_111 : vector<16xf32> to vector<1x16xf32>
      tpu.vector_store %arg18[%swap3A, %swap3A_112], %swap3A_115 {strides = array<i32>} : memref<40x128xf32, #tpu.memory_space<vmem>>, vector<1x16xf32>,
      %get3A_116 = arith.index_cast %scan3A_96 : i32 to index
      %get3A_117 = arith.constant 16 : index
      %get3A_118 = tpu.vector_load %arg16[%get3A_116, %get3A_117] {strides = array<i32>} : memref<40x128xf32, #tpu.memory_space<vmem>>, vector<1x16xf32>,
      %get3A_119 = vector.shape_cast %get3A_118 : vector<1x16xf32> to vector<16xf32>
      %get3A_120 = arith.index_cast %scan3A_96 : i32 to index
      %get3A_121 = arith.constant 16 : index
      %get3A_122 = tpu.vector_load %arg17[%get3A_120, %get3A_121] {strides = array<i32>} : memref<40x128xf32, #tpu.memory_space<vmem>>, vector<1x16xf32>,
      %get3A_123 = vector.shape_cast %get3A_122 : vector<1x16xf32> to vector<16xf32>
      %add3A_124 = arith.addf %get3A_119, %get3A_123 : vector<16xf32>
      %get3A_125 = arith.index_cast %scan3A_96 : i32 to index
      %get3A_126 = arith.constant 16 : index
      %get3A_127 = tpu.vector_load %arg18[%get3A_125, %get3A_126] {strides = array<i32>} : memref<40x128xf32, #tpu.memory_space<vmem>>, vector<1x16xf32>,
      %get3A_128 = vector.shape_cast %get3A_127 : vector<1x16xf32> to vector<16xf32>
      %add3A_129 = arith.addf %add3A_124, %get3A_128 : vector<16xf32>
      %max3A_130 = arith.constant 0.000000e+00 : f32
      %max3A_131 = vector.broadcast %max3A_130 : f32 to vector<16xf32>
      %max3A_132 = arith.maximumf %add3A_129, %max3A_131 : vector<16xf32>
      %swap3A_133 = arith.index_cast %scan3A_96 : i32 to index
      %swap3A_134 = arith.constant 16 : index
      %swap3A_135 = tpu.vector_load %arg18[%swap3A_133, %swap3A_134] {strides = array<i32>} : memref<40x128xf32, #tpu.memory_space<vmem>>, vector<1x16xf32>,
      %swap3A_136 = vector.shape_cast %swap3A_135 : vector<1x16xf32> to vector<16xf32>
      %swap3A_137 = vector.shape_cast %max3A_132 : vector<16xf32> to vector<1x16xf32>
      tpu.vector_store %arg18[%swap3A_133, %swap3A_134], %swap3A_137 {strides = array<i32>} : memref<40x128xf32, #tpu.memory_space<vmem>>, vector<1x16xf32>,
      %get3A_138 = arith.index_cast %scan3A_96 : i32 to index
      %get3A_139 = arith.constant 32 : index
      %get3A_140 = tpu.vector_load %arg16[%get3A_138, %get3A_139] {strides = array<i32>} : memref<40x128xf32, #tpu.memory_space<vmem>>, vector<1x16xf32>,
      %get3A_141 = vector.shape_cast %get3A_140 : vector<1x16xf32> to vector<16xf32>
      %get3A_142 = arith.index_cast %scan3A_96 : i32 to index
      %get3A_143 = arith.constant 32 : index
      %get3A_144 = tpu.vector_load %arg17[%get3A_142, %get3A_143] {strides = array<i32>} : memref<40x128xf32, #tpu.memory_space<vmem>>, vector<1x16xf32>,
      %get3A_145 = vector.shape_cast %get3A_144 : vector<1x16xf32> to vector<16xf32>
      %add3A_146 = arith.addf %get3A_141, %get3A_145 : vector<16xf32>
      %get3A_147 = arith.index_cast %scan3A_96 : i32 to index
      %get3A_148 = arith.constant 32 : index
      %get3A_149 = tpu.vector_load %arg18[%get3A_147, %get3A_148] {strides = array<i32>} : memref<40x128xf32, #tpu.memory_space<vmem>>, vector<1x16xf32>,
      %get3A_150 = vector.shape_cast %get3A_149 : vector<1x16xf32> to vector<16xf32>
      %add3A_151 = arith.addf %add3A_146, %get3A_150 : vector<16xf32>
      %max3A_152 = arith.constant 0.000000e+00 : f32
      %max3A_153 = vector.broadcast %max3A_152 : f32 to vector<16xf32>
      %max3A_154 = arith.maximumf %add3A_151, %max3A_153 : vector<16xf32>
      %swap3A_155 = arith.index_cast %scan3A_96 : i32 to index
      %swap3A_156 = arith.constant 32 : index
      %swap3A_157 = tpu.vector_load %arg18[%swap3A_155, %swap3A_156] {strides = array<i32>} : memref<40x128xf32, #tpu.memory_space<vmem>>, vector<1x16xf32>,
      %swap3A_158 = vector.shape_cast %swap3A_157 : vector<1x16xf32> to vector<16xf32>
      %swap3A_159 = vector.shape_cast %max3A_154 : vector<16xf32> to vector<1x16xf32>
      tpu.vector_store %arg18[%swap3A_155, %swap3A_156], %swap3A_159 {strides = array<i32>} : memref<40x128xf32, #tpu.memory_space<vmem>>, vector<1x16xf32>,
      %get3A_160 = arith.index_cast %scan3A_96 : i32 to index
      %get3A_161 = arith.constant 48 : index
      %get3A_162 = tpu.vector_load %arg16[%get3A_160, %get3A_161] {strides = array<i32>} : memref<40x128xf32, #tpu.memory_space<vmem>>, vector<1x16xf32>,
      %get3A_163 = vector.shape_cast %get3A_162 : vector<1x16xf32> to vector<16xf32>
      %get3A_164 = arith.index_cast %scan3A_96 : i32 to index
      %get3A_165 = arith.constant 48 : index
      %get3A_166 = tpu.vector_load %arg17[%get3A_164, %get3A_165] {strides = array<i32>} : memref<40x128xf32, #tpu.memory_space<vmem>>, vector<1x16xf32>,
      %get3A_167 = vector.shape_cast %get3A_166 : vector<1x16xf32> to vector<16xf32>
      %add3A_168 = arith.addf %get3A_163, %get3A_167 : vector<16xf32>
      %get3A_169 = arith.index_cast %scan3A_96 : i32 to index
      %get3A_170 = arith.constant 48 : index
      %get3A_171 = tpu.vector_load %arg18[%get3A_169, %get3A_170] {strides = array<i32>} : memref<40x128xf32, #tpu.memory_space<vmem>>, vector<1x16xf32>,
      %get3A_172 = vector.shape_cast %get3A_171 : vector<1x16xf32> to vector<16xf32>
      %add3A_173 = arith.addf %add3A_168, %get3A_172 : vector<16xf32>
      %max3A_174 = arith.constant 0.000000e+00 : f32
      %max3A_175 = vector.broadcast %max3A_174 : f32 to vector<16xf32>
      %max3A_176 = arith.maximumf %add3A_173, %max3A_175 : vector<16xf32>
      %swap3A_177 = arith.index_cast %scan3A_96 : i32 to index
      %swap3A_178 = arith.constant 48 : index
      %swap3A_179 = tpu.vector_load %arg18[%swap3A_177, %swap3A_178] {strides = array<i32>} : memref<40x128xf32, #tpu.memory_space<vmem>>, vector<1x16xf32>,
      %swap3A_180 = vector.shape_cast %swap3A_179 : vector<1x16xf32> to vector<16xf32>
      %swap3A_181 = vector.shape_cast %max3A_176 : vector<16xf32> to vector<1x16xf32>
      tpu.vector_store %arg18[%swap3A_177, %swap3A_178], %swap3A_181 {strides = array<i32>} : memref<40x128xf32, #tpu.memory_space<vmem>>, vector<1x16xf32>,
      %get3A_182 = arith.index_cast %scan3A_96 : i32 to index
      %get3A_183 = arith.constant 64 : index
      %get3A_184 = tpu.vector_load %arg16[%get3A_182, %get3A_183] {strides = array<i32>} : memref<40x128xf32, #tpu.memory_space<vmem>>, vector<1x16xf32>,
      %get3A_185 = vector.shape_cast %get3A_184 : vector<1x16xf32> to vector<16xf32>
      %get3A_186 = arith.index_cast %scan3A_96 : i32 to index
      %get3A_187 = arith.constant 64 : index
      %get3A_188 = tpu.vector_load %arg17[%get3A_186, %get3A_187] {strides = array<i32>} : memref<40x128xf32, #tpu.memory_space<vmem>>, vector<1x16xf32>,
      %get3A_189 = vector.shape_cast %get3A_188 : vector<1x16xf32> to vector<16xf32>
      %add3A_190 = arith.addf %get3A_185, %get3A_189 : vector<16xf32>
      %get3A_191 = arith.index_cast %scan3A_96 : i32 to index
      %get3A_192 = arith.constant 64 : index
      %get3A_193 = tpu.vector_load %arg18[%get3A_191, %get3A_192] {strides = array<i32>} : memref<40x128xf32, #tpu.memory_space<vmem>>, vector<1x16xf32>,
      %get3A_194 = vector.shape_cast %get3A_193 : vector<1x16xf32> to vector<16xf32>
      %add3A_195 = arith.addf %add3A_190, %get3A_194 : vector<16xf32>
      %max3A_196 = arith.constant 0.000000e+00 : f32
      %max3A_197 = vector.broadcast %max3A_196 : f32 to vector<16xf32>
      %max3A_198 = arith.maximumf %add3A_195, %max3A_197 : vector<16xf32>
      %swap3A_199 = arith.index_cast %scan3A_96 : i32 to index
      %swap3A_200 = arith.constant 64 : index
      %swap3A_201 = tpu.vector_load %arg18[%swap3A_199, %swap3A_200] {strides = array<i32>} : memref<40x128xf32, #tpu.memory_space<vmem>>, vector<1x16xf32>,
      %swap3A_202 = vector.shape_cast %swap3A_201 : vector<1x16xf32> to vector<16xf32>
      %swap3A_203 = vector.shape_cast %max3A_198 : vector<16xf32> to vector<1x16xf32>
      tpu.vector_store %arg18[%swap3A_199, %swap3A_200], %swap3A_203 {strides = array<i32>} : memref<40x128xf32, #tpu.memory_space<vmem>>, vector<1x16xf32>,
      %get3A_204 = arith.index_cast %scan3A_96 : i32 to index
      %get3A_205 = arith.constant 80 : index
      %get3A_206 = tpu.vector_load %arg16[%get3A_204, %get3A_205] {strides = array<i32>} : memref<40x128xf32, #tpu.memory_space<vmem>>, vector<1x16xf32>,
      %get3A_207 = vector.shape_cast %get3A_206 : vector<1x16xf32> to vector<16xf32>
      %get3A_208 = arith.index_cast %scan3A_96 : i32 to index
      %get3A_209 = arith.constant 80 : index
      %get3A_210 = tpu.vector_load %arg17[%get3A_208, %get3A_209] {strides = array<i32>} : memref<40x128xf32, #tpu.memory_space<vmem>>, vector<1x16xf32>,
      %get3A_211 = vector.shape_cast %get3A_210 : vector<1x16xf32> to vector<16xf32>
      %add3A_212 = arith.addf %get3A_207, %get3A_211 : vector<16xf32>
      %get3A_213 = arith.index_cast %scan3A_96 : i32 to index
      %get3A_214 = arith.constant 80 : index
      %get3A_215 = tpu.vector_load %arg18[%get3A_213, %get3A_214] {strides = array<i32>} : memref<40x128xf32, #tpu.memory_space<vmem>>, vector<1x16xf32>,
      %get3A_216 = vector.shape_cast %get3A_215 : vector<1x16xf32> to vector<16xf32>
      %add3A_217 = arith.addf %add3A_212, %get3A_216 : vector<16xf32>
      %max3A_218 = arith.constant 0.000000e+00 : f32
      %max3A_219 = vector.broadcast %max3A_218 : f32 to vector<16xf32>
      %max3A_220 = arith.maximumf %add3A_217, %max3A_219 : vector<16xf32>
      %swap3A_221 = arith.index_cast %scan3A_96 : i32 to index
      %swap3A_222 = arith.constant 80 : index
      %swap3A_223 = tpu.vector_load %arg18[%swap3A_221, %swap3A_222] {strides = array<i32>} : memref<40x128xf32, #tpu.memory_space<vmem>>, vector<1x16xf32>,
      %swap3A_224 = vector.shape_cast %swap3A_223 : vector<1x16xf32> to vector<16xf32>
      %swap3A_225 = vector.shape_cast %max3A_220 : vector<16xf32> to vector<1x16xf32>
      tpu.vector_store %arg18[%swap3A_221, %swap3A_222], %swap3A_225 {strides = array<i32>} : memref<40x128xf32, #tpu.memory_space<vmem>>, vector<1x16xf32>,
      %get3A_226 = arith.index_cast %scan3A_96 : i32 to index
      %get3A_227 = arith.constant 96 : index
      %get3A_228 = tpu.vector_load %arg16[%get3A_226, %get3A_227] {strides = array<i32>} : memref<40x128xf32, #tpu.memory_space<vmem>>, vector<1x16xf32>,
      %get3A_229 = vector.shape_cast %get3A_228 : vector<1x16xf32> to vector<16xf32>
      %get3A_230 = arith.index_cast %scan3A_96 : i32 to index
      %get3A_231 = arith.constant 96 : index
      %get3A_232 = tpu.vector_load %arg17[%get3A_230, %get3A_231] {strides = array<i32>} : memref<40x128xf32, #tpu.memory_space<vmem>>, vector<1x16xf32>,
      %get3A_233 = vector.shape_cast %get3A_232 : vector<1x16xf32> to vector<16xf32>
      %add3A_234 = arith.addf %get3A_229, %get3A_233 : vector<16xf32>
      %get3A_235 = arith.index_cast %scan3A_96 : i32 to index
      %get3A_236 = arith.constant 96 : index
      %get3A_237 = tpu.vector_load %arg18[%get3A_235, %get3A_236] {strides = array<i32>} : memref<40x128xf32, #tpu.memory_space<vmem>>, vector<1x16xf32>,
      %get3A_238 = vector.shape_cast %get3A_237 : vector<1x16xf32> to vector<16xf32>
      %add3A_239 = arith.addf %add3A_234, %get3A_238 : vector<16xf32>
      %max3A_240 = arith.constant 0.000000e+00 : f32
      %max3A_241 = vector.broadcast %max3A_240 : f32 to vector<16xf32>
      %max3A_242 = arith.maximumf %add3A_239, %max3A_241 : vector<16xf32>
      %swap3A_243 = arith.index_cast %scan3A_96 : i32 to index
      %swap3A_244 = arith.constant 96 : index
      %swap3A_245 = tpu.vector_load %arg18[%swap3A_243, %swap3A_244] {strides = array<i32>} : memref<40x128xf32, #tpu.memory_space<vmem>>, vector<1x16xf32>,
      %swap3A_246 = vector.shape_cast %swap3A_245 : vector<1x16xf32> to vector<16xf32>
      %swap3A_247 = vector.shape_cast %max3A_242 : vector<16xf32> to vector<1x16xf32>
      tpu.vector_store %arg18[%swap3A_243, %swap3A_244], %swap3A_247 {strides = array<i32>} : memref<40x128xf32, #tpu.memory_space<vmem>>, vector<1x16xf32>,
      %get3A_248 = arith.index_cast %scan3A_96 : i32 to index
      %get3A_249 = arith.constant 112 : index
      %get3A_250 = tpu.vector_load %arg16[%get3A_248, %get3A_249] {strides = array<i32>} : memref<40x128xf32, #tpu.memory_space<vmem>>, vector<1x16xf32>,
      %get3A_251 = vector.shape_cast %get3A_250 : vector<1x16xf32> to vector<16xf32>
      %get3A_252 = arith.index_cast %scan3A_96 : i32 to index
      %get3A_253 = arith.constant 112 : index
      %get3A_254 = tpu.vector_load %arg17[%get3A_252, %get3A_253] {strides = array<i32>} : memref<40x128xf32, #tpu.memory_space<vmem>>, vector<1x16xf32>,
      %get3A_255 = vector.shape_cast %get3A_254 : vector<1x16xf32> to vector<16xf32>
      %add3A_256 = arith.addf %get3A_251, %get3A_255 : vector<16xf32>
      %get3A_257 = arith.index_cast %scan3A_96 : i32 to index
      %get3A_258 = arith.constant 112 : index
      %get3A_259 = tpu.vector_load %arg18[%get3A_257, %get3A_258] {strides = array<i32>} : memref<40x128xf32, #tpu.memory_space<vmem>>, vector<1x16xf32>,
      %get3A_260 = vector.shape_cast %get3A_259 : vector<1x16xf32> to vector<16xf32>
      %add3A_261 = arith.addf %add3A_256, %get3A_260 : vector<16xf32>
      %max3A_262 = arith.constant 0.000000e+00 : f32
      %max3A_263 = vector.broadcast %max3A_262 : f32 to vector<16xf32>
      %max3A_264 = arith.maximumf %add3A_261, %max3A_263 : vector<16xf32>
      %swap3A_265 = arith.index_cast %scan3A_96 : i32 to index
      %swap3A_266 = arith.constant 112 : index
      %swap3A_267 = tpu.vector_load %arg18[%swap3A_265, %swap3A_266] {strides = array<i32>} : memref<40x128xf32, #tpu.memory_space<vmem>>, vector<1x16xf32>,
      %swap3A_268 = vector.shape_cast %swap3A_267 : vector<1x16xf32> to vector<16xf32>
      %swap3A_269 = vector.shape_cast %max3A_264 : vector<16xf32> to vector<1x16xf32>
      tpu.vector_store %arg18[%swap3A_265, %swap3A_266], %swap3A_269 {strides = array<i32>} : memref<40x128xf32, #tpu.memory_space<vmem>>, vector<1x16xf32>,
    }
    %scan3A_89 = arith.constant 40 : i32
    "tpu.region"() ({
      %run_scoped3A = tpu.sem_alloc : memref<!tpu.dma_semaphore, #tpu.memory_space<semaphore_mem>>
      %dma_start3A_96 = arith.constant 0 : i32
      %dma_start3A_97 = arith.constant 0 : i32
      %dma_start3A_98 = tpu.memref_slice %arg19[%dma_start3A_96, %dma_start3A_97] : memref<10000x128xf32, #tpu.memory_space<vmem_shared>> -> memref<10000x128xf32, #tpu.memory_space<vmem_shared>>
      tpu.enqueue_indirect_dma source(%arg18 : memref<40x128xf32, #tpu.memory_space<vmem>>) target(%dma_start3A_98 : memref<10000x128xf32, #tpu.memory_space<vmem_shared>>) offsets(%arg12 : memref<40xi32, #tpu.memory_space<vmem>>) semaphore(%run_scoped3A : memref<!tpu.dma_semaphore, #tpu.memory_space<semaphore_mem>>) {add = true}
      %dma_wait3A_99 = arith.constant 0 : i32
      %dma_wait3A_100 = arith.constant 0 : i32
      %dma_wait3A_101 = tpu.memref_slice %arg19[%dma_wait3A_99, %dma_wait3A_100] : memref<10000x128xf32, #tpu.memory_space<vmem_shared>> -> memref<10000x128xf32, #tpu.memory_space<vmem_shared>>
      tpu.wait_indirect_dma semaphore(%run_scoped3A : memref<!tpu.dma_semaphore, #tpu.memory_space<semaphore_mem>>) src(%arg18 : memref<40x128xf32, #tpu.memory_space<vmem>>) dst(%dma_wait3A_101 : memref<10000x128xf32, #tpu.memory_space<vmem_shared>>)
      tpu.yield
    }) : () -> ()
    %barrier3A_90 = arith.constant 0 : index
    tpu.barrier barrier_id(%barrier3A_90)
    %lt3A_91 = arith.constant 10 : i32
    %lt3A_92 = arith.cmpi slt, %arg1, %lt3A_91 : i32
    %convert_element_type3A_93 = arith.extui %lt3A_92 : i1 to i32
    %cond3A_94 = arith.constant 0 : i32
    %cond3A_95 = arith.cmpi ne, %convert_element_type3A_93, %cond3A_94 : i32
    scf.if %cond3A_95 {
      %mul3A_96 = arith.constant 1000 : i32
      %mul3A_97 = arith.muli %arg1, %mul3A_96 : i32
      %mul3A_98 = arith.constant 1000 : i32
      %mul3A_99 = arith.muli %arg1, %mul3A_98 : i32
      "tpu.region"() ({
        %run_scoped3A = tpu.sem_alloc : memref<!tpu.dma_semaphore, #tpu.memory_space<semaphore_mem>>
        %dma_start3A_100 = arith.constant 0 : i32
        %dma_start3A_101 = tpu.memref_slice %arg8[%arg0, %mul3A_99, %dma_start3A_100] : memref<2x10000x128xf32, #tpu.memory_space<hbm>> -> memref<1x1000x128xf32, #tpu.memory_space<hbm>>
        %dma_start3A_102 = tpu.memref_squeeze %dma_start3A_101 : memref<1x1000x128xf32, #tpu.memory_space<hbm>> -> memref<1000x128xf32, #tpu.memory_space<hbm>>
        %dma_start3A_103 = arith.constant 0 : i32
        %dma_start3A_104 = tpu.memref_slice %arg19[%mul3A_97, %dma_start3A_103] : memref<10000x128xf32, #tpu.memory_space<vmem_shared>> -> memref<1000x128xf32, #tpu.memory_space<vmem_shared>>
        tpu.enqueue_dma source(%dma_start3A_104 : memref<1000x128xf32, #tpu.memory_space<vmem_shared>>) target(%dma_start3A_102 : memref<1000x128xf32, #tpu.memory_space<hbm>>) target_semaphore(%run_scoped3A : memref<!tpu.dma_semaphore, #tpu.memory_space<semaphore_mem>>)
        %dma_wait3A_105 = arith.constant 0 : i32
        %dma_wait3A_106 = tpu.memref_slice %arg8[%arg0, %mul3A_99, %dma_wait3A_105] : memref<2x10000x128xf32, #tpu.memory_space<hbm>> -> memref<1x1000x128xf32, #tpu.memory_space<hbm>>
        %dma_wait3A_107 = tpu.memref_squeeze %dma_wait3A_106 : memref<1x1000x128xf32, #tpu.memory_space<hbm>> -> memref<1000x128xf32, #tpu.memory_space<hbm>>
        %dma_wait3A_108 = arith.constant 0 : i32
        %dma_wait3A_109 = tpu.memref_slice %arg19[%mul3A_97, %dma_wait3A_108] : memref<10000x128xf32, #tpu.memory_space<vmem_shared>> -> memref<1000x128xf32, #tpu.memory_space<vmem_shared>>
        tpu.wait_dma2 semaphore(%run_scoped3A : memref<!tpu.dma_semaphore, #tpu.memory_space<semaphore_mem>>) src(%dma_wait3A_109 : memref<1000x128xf32, #tpu.memory_space<vmem_shared>>) dst(%dma_wait3A_107 : memref<1000x128xf32, #tpu.memory_space<hbm>>)
        tpu.yield
      }) : () -> ()
    } else {
    }
    return
  }
}

module attributes {stable_mosaic.version = 14 : i64} {
  func.func @_edge_pre_body(%arg0: i32, %arg1: memref<2000x16xf32, #tpu.memory_space<vmem>>, %arg2: memref<16x128xf32, #tpu.memory_space<vmem>>, %arg3: memref<1x128xf32, #tpu.memory_space<vmem>>, %arg4: memref<2000x128xf32, #tpu.memory_space<vmem>>) attributes {dimension_semantics = [#tpu.dimension_semantics<arbitrary>], iteration_bounds = array<i64: 160>, scalar_prefetch = 0 : i64, scratch_operands = 0 : i64, tpu.core_type = #tpu.core_type<tc>, window_params = [{transform_indices = @transform_0, window_bounds = array<i64: 2000, 16>}, {pipeline_mode = #tpu.pipeline_mode<synchronous>, transform_indices = @transform_1, window_bounds = array<i64: 16, 128>}, {pipeline_mode = #tpu.pipeline_mode<synchronous>, transform_indices = @transform_2, window_bounds = array<i64: 1, 128>}, {transform_indices = @transform_3, window_bounds = array<i64: 2000, 128>}]} {
    %get3A = arith.constant 0 : index
    %get3A_0 = arith.constant 0 : index
    %get3A_1 = vector.load %arg1[%get3A, %get3A_0] : memref<2000x16xf32, #tpu.memory_space<vmem>>, vector<2000x16xf32>
    %get3A_2 = arith.constant 0 : index
    %get3A_3 = arith.constant 0 : index
    %get3A_4 = vector.load %arg2[%get3A_2, %get3A_3] : memref<16x128xf32, #tpu.memory_space<vmem>>, vector<16x128xf32>
    %dot_general3A = arith.constant dense<0.000000e+00> : vector<2000x128xf32>
    %dot_general3A_5 = tpu.matmul %get3A_1, %get3A_4, %dot_general3A {dimension_numbers = #tpu.dot_dimension_numbers<[1], [0], [0], [1], [0, 0, 1, 1], [], []>, transpose_lhs_hint = false} : vector<2000x16xf32>, vector<16x128xf32>, vector<2000x128xf32> -> vector<2000x128xf32>
    %get3A_6 = arith.constant 0 : index
    %get3A_7 = arith.constant 0 : index
    %get3A_8 = vector.load %arg3[%get3A_6, %get3A_7] : memref<1x128xf32, #tpu.memory_space<vmem>>, vector<1x128xf32>
    %add3A = vector.broadcast %get3A_8 : vector<1x128xf32> to vector<2000x128xf32>
    %add3A_9 = arith.addf %dot_general3A_5, %add3A : vector<2000x128xf32>
    %swap3A = arith.constant 0 : index
    %swap3A_10 = arith.constant 0 : index
    %swap3A_11 = vector.load %arg4[%swap3A, %swap3A_10] : memref<2000x128xf32, #tpu.memory_space<vmem>>, vector<2000x128xf32>
    tpu.vector_store %arg4[%swap3A, %swap3A_10], %add3A_9 {strides = array<i32>} : memref<2000x128xf32, #tpu.memory_space<vmem>>, vector<2000x128xf32>,
    return
  }
  func.func @transform_0(%arg0: i32) -> (i32, i32) {
    %c0_i32 = arith.constant 0 : i32
    %c0_i32_0 = arith.constant 0 : i32
    return %arg0, %c0_i32 : i32, i32
  }
  func.func @transform_1(%arg0: i32) -> (i32, i32) {
    %c0_i32 = arith.constant 0 : i32
    %c0_i32_0 = arith.constant 0 : i32
    %c0_i32_1 = arith.constant 0 : i32
    return %c0_i32, %c0_i32_0 : i32, i32
  }
  func.func @transform_2(%arg0: i32) -> (i32, i32) {
    %c0_i32 = arith.constant 0 : i32
    %c0_i32_0 = arith.constant 0 : i32
    %c0_i32_1 = arith.constant 0 : i32
    return %c0_i32, %c0_i32_0 : i32, i32
  }
  func.func @transform_3(%arg0: i32) -> (i32, i32) {
    %c0_i32 = arith.constant 0 : i32
    %c0_i32_0 = arith.constant 0 : i32
    return %arg0, %c0_i32 : i32, i32
  }
}

module attributes {stable_mosaic.version = 14 : i64} {
  func.func @_node_pre_body(%arg0: i32, %arg1: memref<1000x128xf32, #tpu.memory_space<vmem>>, %arg2: memref<1000x1xi32, #tpu.memory_space<vmem>>, %arg3: memref<16x128xf32, #tpu.memory_space<vmem>>, %arg4: memref<128x256xf32, #tpu.memory_space<vmem>>, %arg5: memref<128x128xf32, #tpu.memory_space<vmem>>, %arg6: memref<1000x128xf32, #tpu.memory_space<vmem>>, %arg7: memref<1000x128xf32, #tpu.memory_space<vmem>>) attributes {dimension_semantics = [#tpu.dimension_semantics<arbitrary>], iteration_bounds = array<i64: 10>, scalar_prefetch = 0 : i64, scratch_operands = 0 : i64, tpu.core_type = #tpu.core_type<tc>, window_params = [{transform_indices = @transform_0, window_bounds = array<i64: 1000, 128>}, {transform_indices = @transform_1, window_bounds = array<i64: 1000, 1>}, {pipeline_mode = #tpu.pipeline_mode<synchronous>, transform_indices = @transform_2, window_bounds = array<i64: 16, 128>}, {pipeline_mode = #tpu.pipeline_mode<synchronous>, transform_indices = @transform_3, window_bounds = array<i64: 128, 256>}, {pipeline_mode = #tpu.pipeline_mode<synchronous>, transform_indices = @transform_4, window_bounds = array<i64: 128, 128>}, {transform_indices = @transform_5, window_bounds = array<i64: 1000, 128>}, {transform_indices = @transform_6, window_bounds = array<i64: 1000, 128>}]} {
    %get3A = arith.constant 0 : index
    %get3A_0 = arith.constant 0 : index
    %get3A_1 = vector.load %arg1[%get3A, %get3A_0] : memref<1000x128xf32, #tpu.memory_space<vmem>>, vector<1000x128xf32>
    %get3A_2 = arith.constant 0 : index
    %get3A_3 = arith.constant 0 : index
    %get3A_4 = vector.load %arg4[%get3A_2, %get3A_3] : memref<128x256xf32, #tpu.memory_space<vmem>>, vector<128x256xf32>
    %dot_general3A = arith.constant dense<0.000000e+00> : vector<1000x256xf32>
    %dot_general3A_5 = tpu.matmul %get3A_1, %get3A_4, %dot_general3A {dimension_numbers = #tpu.dot_dimension_numbers<[1], [0], [0], [1], [0, 0, 1, 1], [], []>, transpose_lhs_hint = false} : vector<1000x128xf32>, vector<128x256xf32>, vector<1000x256xf32> -> vector<1000x256xf32>
    %get3A_6 = arith.constant 0 : index
    %get3A_7 = arith.constant 0 : index
    %get3A_8 = vector.load %arg3[%get3A_6, %get3A_7] : memref<16x128xf32, #tpu.memory_space<vmem>>, vector<16x128xf32>
    %get3A_9 = arith.constant 0 : index
    %get3A_10 = arith.constant 0 : index
    %get3A_11 = vector.load %arg5[%get3A_9, %get3A_10] : memref<128x128xf32, #tpu.memory_space<vmem>>, vector<128x128xf32>
    %dot_general3A_12 = arith.constant dense<0.000000e+00> : vector<16x128xf32>
    %dot_general3A_13 = tpu.matmul %get3A_8, %get3A_11, %dot_general3A_12 {dimension_numbers = #tpu.dot_dimension_numbers<[1], [0], [0], [1], [0, 0, 1, 1], [], []>, transpose_lhs_hint = false} : vector<16x128xf32>, vector<128x128xf32>, vector<16x128xf32> -> vector<16x128xf32>
    %get3A_14 = arith.constant 0 : index
    %get3A_15 = arith.constant 0 : index
    %get3A_16 = vector.load %arg2[%get3A_14, %get3A_15] : memref<1000x1xi32, #tpu.memory_space<vmem>>, vector<1000x1xi32>
    %iota3A = tpu.iota {dimensions = array<i32: 1>} : vector<1000x16xi32>
    %eq3A = vector.broadcast %get3A_16 : vector<1000x1xi32> to vector<1000x16xi32>
    %eq3A_17 = arith.cmpi eq, %eq3A, %iota3A : vector<1000x16xi32>
    %convert_element_type3A = arith.extui %eq3A_17 : vector<1000x16xi1> to vector<1000x16xi32>
    %convert_element_type3A_18 = arith.sitofp %convert_element_type3A : vector<1000x16xi32> to vector<1000x16xf32>
    %slice3A = vector.extract_strided_slice %dot_general3A_5 {offsets = [0, 0], sizes = [1000, 128], strides = [1, 1]} : vector<1000x256xf32> to vector<1000x128xf32>
    %dot_general3A_19 = arith.constant dense<0.000000e+00> : vector<1000x128xf32>
    %dot_general3A_20 = tpu.matmul %convert_element_type3A_18, %dot_general3A_13, %dot_general3A_19 {dimension_numbers = #tpu.dot_dimension_numbers<[1], [0], [0], [1], [0, 0, 1, 1], [], []>, transpose_lhs_hint = false} : vector<1000x16xf32>, vector<16x128xf32>, vector<1000x128xf32> -> vector<1000x128xf32>
    %add3A = arith.addf %slice3A, %dot_general3A_20 : vector<1000x128xf32>
    %swap3A = arith.constant 0 : index
    %swap3A_21 = arith.constant 0 : index
    %swap3A_22 = vector.load %arg6[%swap3A, %swap3A_21] : memref<1000x128xf32, #tpu.memory_space<vmem>>, vector<1000x128xf32>
    tpu.vector_store %arg6[%swap3A, %swap3A_21], %add3A {strides = array<i32>} : memref<1000x128xf32, #tpu.memory_space<vmem>>, vector<1000x128xf32>,
    %slice3A_23 = vector.extract_strided_slice %dot_general3A_5 {offsets = [0, 128], sizes = [1000, 128], strides = [1, 1]} : vector<1000x256xf32> to vector<1000x128xf32>
    %swap3A_24 = arith.constant 0 : index
    %swap3A_25 = arith.constant 0 : index
    %swap3A_26 = vector.load %arg7[%swap3A_24, %swap3A_25] : memref<1000x128xf32, #tpu.memory_space<vmem>>, vector<1000x128xf32>
    tpu.vector_store %arg7[%swap3A_24, %swap3A_25], %slice3A_23 {strides = array<i32>} : memref<1000x128xf32, #tpu.memory_space<vmem>>, vector<1000x128xf32>,
    return
  }
  func.func @transform_0(%arg0: i32) -> (i32, i32) {
    %c0_i32 = arith.constant 0 : i32
    %c0_i32_0 = arith.constant 0 : i32
    return %arg0, %c0_i32 : i32, i32
  }
  func.func @transform_1(%arg0: i32) -> (i32, i32) {
    %c0_i32 = arith.constant 0 : i32
    %c0_i32_0 = arith.constant 0 : i32
    return %arg0, %c0_i32 : i32, i32
  }
  func.func @transform_2(%arg0: i32) -> (i32, i32) {
    %c0_i32 = arith.constant 0 : i32
    %c0_i32_0 = arith.constant 0 : i32
    %c0_i32_1 = arith.constant 0 : i32
    return %c0_i32, %c0_i32_0 : i32, i32
  }
  func.func @transform_3(%arg0: i32) -> (i32, i32) {
    %c0_i32 = arith.constant 0 : i32
    %c0_i32_0 = arith.constant 0 : i32
    %c0_i32_1 = arith.constant 0 : i32
    return %c0_i32, %c0_i32_0 : i32, i32
  }
  func.func @transform_4(%arg0: i32) -> (i32, i32) {
    %c0_i32 = arith.constant 0 : i32
    %c0_i32_0 = arith.constant 0 : i32
    %c0_i32_1 = arith.constant 0 : i32
    return %c0_i32, %c0_i32_0 : i32, i32
  }
  func.func @transform_5(%arg0: i32) -> (i32, i32) {
    %c0_i32 = arith.constant 0 : i32
    %c0_i32_0 = arith.constant 0 : i32
    return %arg0, %c0_i32 : i32, i32
  }
  func.func @transform_6(%arg0: i32) -> (i32, i32) {
    %c0_i32 = arith.constant 0 : i32
    %c0_i32_0 = arith.constant 0 : i32
    return %arg0, %c0_i32 : i32, i32
  }
}

module attributes {stable_mosaic.version = 14 : i64} {
  func.func @_final_body(%arg0: i32, %arg1: memref<1000x128xf32, #tpu.memory_space<vmem>>, %arg2: memref<2x1000x128xf32, #tpu.memory_space<vmem>>, %arg3: memref<1000x1xi32, #tpu.memory_space<vmem>>, %arg4: memref<16x128xf32, #tpu.memory_space<vmem>>, %arg5: memref<384x128xf32, #tpu.memory_space<vmem>>, %arg6: memref<1x128xf32, #tpu.memory_space<vmem>>, %arg7: memref<1000x128xf32, #tpu.memory_space<vmem>>) attributes {dimension_semantics = [#tpu.dimension_semantics<arbitrary>], iteration_bounds = array<i64: 10>, scalar_prefetch = 0 : i64, scratch_operands = 0 : i64, tpu.core_type = #tpu.core_type<tc>, window_params = [{transform_indices = @transform_0, window_bounds = array<i64: 1000, 128>}, {transform_indices = @transform_1, window_bounds = array<i64: 2, 1000, 128>}, {transform_indices = @transform_2, window_bounds = array<i64: 1000, 1>}, {pipeline_mode = #tpu.pipeline_mode<synchronous>, transform_indices = @transform_3, window_bounds = array<i64: 16, 128>}, {pipeline_mode = #tpu.pipeline_mode<synchronous>, transform_indices = @transform_4, window_bounds = array<i64: 384, 128>}, {pipeline_mode = #tpu.pipeline_mode<synchronous>, transform_indices = @transform_5, window_bounds = array<i64: 1, 128>}, {transform_indices = @transform_6, window_bounds = array<i64: 1000, 128>}]} {
    %get3A = arith.constant 0 : index
    %get3A_0 = arith.constant 0 : index
    %get3A_1 = vector.load %arg5[%get3A, %get3A_0] : memref<384x128xf32, #tpu.memory_space<vmem>>, vector<384x128xf32>
    %get3A_2 = arith.constant 0 : index
    %get3A_3 = arith.constant 0 : index
    %get3A_4 = arith.constant 0 : index
    %get3A_5 = vector.load %arg2[%get3A_2, %get3A_3, %get3A_4] : memref<2x1000x128xf32, #tpu.memory_space<vmem>>, vector<1x1000x128xf32>
    %get3A_6 = vector.shape_cast %get3A_5 : vector<1x1000x128xf32> to vector<1000x128xf32>
    %get3A_7 = arith.constant 1 : index
    %get3A_8 = arith.constant 0 : index
    %get3A_9 = arith.constant 0 : index
    %get3A_10 = vector.load %arg2[%get3A_7, %get3A_8, %get3A_9] : memref<2x1000x128xf32, #tpu.memory_space<vmem>>, vector<1x1000x128xf32>
    %get3A_11 = vector.shape_cast %get3A_10 : vector<1x1000x128xf32> to vector<1000x128xf32>
    %add3A = arith.addf %get3A_6, %get3A_11 : vector<1000x128xf32>
    %get3A_12 = arith.constant 0 : index
    %get3A_13 = arith.constant 0 : index
    %get3A_14 = vector.load %arg1[%get3A_12, %get3A_13] : memref<1000x128xf32, #tpu.memory_space<vmem>>, vector<1000x128xf32>
    %slice3A = vector.extract_strided_slice %get3A_1 {offsets = [0, 0], sizes = [128, 128], strides = [1, 1]} : vector<384x128xf32> to vector<128x128xf32>
    %dot_general3A = arith.constant dense<0.000000e+00> : vector<1000x128xf32>
    %dot_general3A_15 = tpu.matmul %get3A_14, %slice3A, %dot_general3A {dimension_numbers = #tpu.dot_dimension_numbers<[1], [0], [0], [1], [0, 0, 1, 1], [], []>, transpose_lhs_hint = false} : vector<1000x128xf32>, vector<128x128xf32>, vector<1000x128xf32> -> vector<1000x128xf32>
    %slice3A_16 = vector.extract_strided_slice %get3A_1 {offsets = [128, 0], sizes = [128, 128], strides = [1, 1]} : vector<384x128xf32> to vector<128x128xf32>
    %dot_general3A_17 = arith.constant dense<0.000000e+00> : vector<1000x128xf32>
    %dot_general3A_18 = tpu.matmul %add3A, %slice3A_16, %dot_general3A_17 {dimension_numbers = #tpu.dot_dimension_numbers<[1], [0], [0], [1], [0, 0, 1, 1], [], []>, transpose_lhs_hint = false} : vector<1000x128xf32>, vector<128x128xf32>, vector<1000x128xf32> -> vector<1000x128xf32>
    %add3A_19 = arith.addf %dot_general3A_15, %dot_general3A_18 : vector<1000x128xf32>
    %get3A_20 = arith.constant 0 : index
    %get3A_21 = arith.constant 0 : index
    %get3A_22 = vector.load %arg4[%get3A_20, %get3A_21] : memref<16x128xf32, #tpu.memory_space<vmem>>, vector<16x128xf32>
    %slice3A_23 = vector.extract_strided_slice %get3A_1 {offsets = [256, 0], sizes = [128, 128], strides = [1, 1]} : vector<384x128xf32> to vector<128x128xf32>
    %dot_general3A_24 = arith.constant dense<0.000000e+00> : vector<16x128xf32>
    %dot_general3A_25 = tpu.matmul %get3A_22, %slice3A_23, %dot_general3A_24 {dimension_numbers = #tpu.dot_dimension_numbers<[1], [0], [0], [1], [0, 0, 1, 1], [], []>, transpose_lhs_hint = false} : vector<16x128xf32>, vector<128x128xf32>, vector<16x128xf32> -> vector<16x128xf32>
    %get3A_26 = arith.constant 0 : index
    %get3A_27 = arith.constant 0 : index
    %get3A_28 = vector.load %arg3[%get3A_26, %get3A_27] : memref<1000x1xi32, #tpu.memory_space<vmem>>, vector<1000x1xi32>
    %iota3A = tpu.iota {dimensions = array<i32: 1>} : vector<1000x16xi32>
    %eq3A = vector.broadcast %get3A_28 : vector<1000x1xi32> to vector<1000x16xi32>
    %eq3A_29 = arith.cmpi eq, %eq3A, %iota3A : vector<1000x16xi32>
    %convert_element_type3A = arith.extui %eq3A_29 : vector<1000x16xi1> to vector<1000x16xi32>
    %convert_element_type3A_30 = arith.sitofp %convert_element_type3A : vector<1000x16xi32> to vector<1000x16xf32>
    %dot_general3A_31 = arith.constant dense<0.000000e+00> : vector<1000x128xf32>
    %dot_general3A_32 = tpu.matmul %convert_element_type3A_30, %dot_general3A_25, %dot_general3A_31 {dimension_numbers = #tpu.dot_dimension_numbers<[1], [0], [0], [1], [0, 0, 1, 1], [], []>, transpose_lhs_hint = false} : vector<1000x16xf32>, vector<16x128xf32>, vector<1000x128xf32> -> vector<1000x128xf32>
    %add3A_33 = arith.addf %add3A_19, %dot_general3A_32 : vector<1000x128xf32>
    %get3A_34 = arith.constant 0 : index
    %get3A_35 = arith.constant 0 : index
    %get3A_36 = vector.load %arg6[%get3A_34, %get3A_35] : memref<1x128xf32, #tpu.memory_space<vmem>>, vector<1x128xf32>
    %add3A_37 = vector.broadcast %get3A_36 : vector<1x128xf32> to vector<1000x128xf32>
    %add3A_38 = arith.addf %add3A_33, %add3A_37 : vector<1000x128xf32>
    %max3A = arith.constant 0.000000e+00 : f32
    %max3A_39 = vector.broadcast %max3A : f32 to vector<1000x128xf32>
    %max3A_40 = arith.maximumf %add3A_38, %max3A_39 : vector<1000x128xf32>
    %swap3A = arith.constant 0 : index
    %swap3A_41 = arith.constant 0 : index
    %swap3A_42 = vector.load %arg7[%swap3A, %swap3A_41] : memref<1000x128xf32, #tpu.memory_space<vmem>>, vector<1000x128xf32>
    tpu.vector_store %arg7[%swap3A, %swap3A_41], %max3A_40 {strides = array<i32>} : memref<1000x128xf32, #tpu.memory_space<vmem>>, vector<1000x128xf32>,
    return
  }
  func.func @transform_0(%arg0: i32) -> (i32, i32) {
    %c0_i32 = arith.constant 0 : i32
    %c0_i32_0 = arith.constant 0 : i32
    return %arg0, %c0_i32 : i32, i32
  }
  func.func @transform_1(%arg0: i32) -> (i32, i32, i32) {
    %c0_i32 = arith.constant 0 : i32
    %c0_i32_0 = arith.constant 0 : i32
    %c0_i32_1 = arith.constant 0 : i32
    return %c0_i32, %arg0, %c0_i32_0 : i32, i32, i32
  }
  func.func @transform_2(%arg0: i32) -> (i32, i32) {
    %c0_i32 = arith.constant 0 : i32
    %c0_i32_0 = arith.constant 0 : i32
    return %arg0, %c0_i32 : i32, i32
  }
  func.func @transform_3(%arg0: i32) -> (i32, i32) {
    %c0_i32 = arith.constant 0 : i32
    %c0_i32_0 = arith.constant 0 : i32
    %c0_i32_1 = arith.constant 0 : i32
    return %c0_i32, %c0_i32_0 : i32, i32
  }
  func.func @transform_4(%arg0: i32) -> (i32, i32) {
    %c0_i32 = arith.constant 0 : i32
    %c0_i32_0 = arith.constant 0 : i32
    %c0_i32_1 = arith.constant 0 : i32
    return %c0_i32, %c0_i32_0 : i32, i32
  }
  func.func @transform_5(%arg0: i32) -> (i32, i32) {
    %c0_i32 = arith.constant 0 : i32
    %c0_i32_0 = arith.constant 0 : i32
    %c0_i32_1 = arith.constant 0 : i32
    return %c0_i32, %c0_i32_0 : i32, i32
  }
  func.func @transform_6(%arg0: i32) -> (i32, i32) {
    %c0_i32 = arith.constant 0 : i32
    %c0_i32_0 = arith.constant 0 : i32
    return %arg0, %c0_i32 : i32, i32
  }
}

</mosaic_0001>

<sc_bundles>
// kernel: kernel.6.cloned.1.call-start
scs
__scs_entry_jumppad:
0x0: {  	(pc) =	sbr.rel $0x88, $3  }
0x1: {  	(tag) =	ssettag $0x0;
	lr =	simm.s32 $0x1  }
0x2: {  	[smem:$0x3F98] =	sst lr;
	_ =	strace $0xD0000000  }
0x3: {  	_ = 	snop  }
0x4: {  	_ = 	snop  }
0x5: {  	_ = 	snop  }
0x6: {  	_ = 	snop  }
0x7: {  	_ = 	snop  }
__scs_overlays_trampoline_lowered:
0x8: {  	[smem:$0x3FA7] =	sst s0  }
0x9: {  	[smem:$0x3FA8] =	sst s1  }
0xa: {  	[smem:$0x3FA9] =	sst s2  }
0xb: {  	[smem:$0x3FAA] =	sst s3  }
0xc: {  	[smem:$0x3FAB] =	sst s4  }
0xd: {  	[smem:$0x3FAC] =	sst s5  }
0xe: {  	[smem:$0x3FAD] =	sst s6  }
0xf: {  	[smem:$0x3FAE] =	sst s7  }
0x10: {  	[smem:$0x3FAF] =	sst s8  }
0x11: {  	[smem:$0x3FB0] =	sst s9;
	s0 =	simm.s32 @!p0 $0x0  }
0x12: {  	s1 =	sld [smem:$0x3F96];
	s0 =	simm.s32 @p0 $0x1  }
0x13: {  	[smem:$0x3FB1] =	sst s0;
	s0 =	simm.s32 @!p1 $0x0  }
0x14: {  	s2 =	sld [smem:$0x3F95];
	s0 =	simm.s32 @p1 $0x1  }
0x15: {  	[smem:$0x3FB2] =	sst s0;
	s0 =	simm.s32 @!p2 $0x0  }
0x16: {  	s3 =	sld [smem:$0x3FDB];
	s0 =	simm.s32 @p2 $0x1  }
0x17: {  	s4 =	simm.s32 $0x1BF5;
	[smem:$0x3FB4] =	sst s0  }
0x18: {  	s0 =	sld [smem:$0x3F97];
	_ =	swait.ge [sflag:s4], $0x0  }
0x19: {  	s7 =	sld [smem:$0x3F98]  }
0x1a: {  	s8 =	sadd.s32 $0xFFFFE003, lr  }
0x1b: {  	s9 =	sadd.s32 $0xFFFFFEF7, lr;
	s5 =	simm.s32 $0xFFFFFFFF;
	p2 =	slt.u32 s8, $0xFFFFF086  }
0x1c: {  	p1 =	slt.u32 s9, $0xF7A;
	s5 =	simm.s32 @!p2 $0x0  }
0x1d: {  	s5 =	simm.s32 @p1 $0x1;
	p0 =	seq.s32 s7, s2  }
0x1e: {  	s7 =	smul.u32 @!p0 $0xF7A, s2;
	p2 =	seq.s32 @!p0 s5, $0x0  }
0x1f: {  	s9 =	smul.u32 $0xF7A, s1;
	s8 =	simm.s32 @!p0 $0x1BF5;
	p2 =	por !p2, p0  }
0x20: {  	[sflag:s8] =	ssyncset.s32 @!p0 $0xFFFFF086;
	s6 =	sadd.s32 @!p0 s3, s7;
	s7 =	simm.s32 @!p0 $0x108  }
0x21: {  	s3 =	sadd.s32 s3, s9;
	s6 =	sadd.s32 @!p0 $0x88, s6;
	s7 =	simm.s32 @p2 $0x1082  }
0x22: {  	[simem:s7], [sflag:s8] =	dma.local @!p0 [hbm:s6], $0xF7A  }
0x23: {  	s9 =	sor.u32 $0xD0000000, s2;
	s6 =	simm.s32 $0x108;
	_ =	swait.ge @!p0 [sflag:s8], $0x0  }
0x24: {  	s3 =	sadd.s32 $0x88, s3;
	s6 =	simm.s32 @!p1 $0x1082;
	[sflag:s4] =	ssyncset.s32 $0xFFFFF086  }
0x25: {  	[simem:s6], [sflag:s4] =	dma.local [hbm:s3], $0xF7A  }
0x26: {  	[smem:$0x3F98] =	sst s1;
	(tag) =	ssettag s2;
	_ =	strace s9  }
0x27: {  	s1 =	sld [smem:$0x3FA8]  }
0x28: {  	s2 =	sld [smem:$0x3FA9]  }
0x29: {  	s4 =	sld [smem:$0x3FAB]  }
0x2a: {  	p0 =	seq.s32 s5, $0x0;
	s5 =	sld [smem:$0x3FAC]  }
0x2b: {  	s6 =	sld [smem:$0x3FAD]  }
0x2c: {  	s7 =	sld [smem:$0x3FAE]  }
0x2d: {  	s3 =	simm.s32 $0x108;
	s8 =	sld [smem:$0x3FAF]  }
0x2e: {  	s3 =	simm.s32 @!p0 $0x1082;
	s9 =	sld [smem:$0x3FB0]  }
0x2f: {  	lr =	sadd.s32 s0, s3;
	s0 =	sld [smem:$0x3FA7]  }
0x30: {  	s3 =	sld [smem:$0x3FAA]  }
0x31: {  	[smem:$0x3FB3] =	sst s10  }
0x32: {  	s10 =	sld [smem:$0x3FB1];
	_ =	sdelay $0x3  }
0x33: {  	p0 =	seq.s32 s10, $0x1;
	s10 =	sld [smem:$0x3FB3];
	_ =	sdelay $0x3  }
0x34: {  	[smem:$0x3FB3] =	sst s10  }
0x35: {  	s10 =	sld [smem:$0x3FB2];
	_ =	sdelay $0x3  }
0x36: {  	p1 =	seq.s32 s10, $0x1;
	s10 =	sld [smem:$0x3FB3];
	_ =	sdelay $0x3  }
0x37: {  	[smem:$0x3FB3] =	sst s10  }
0x38: {  	s10 =	sld [smem:$0x3FB4]  }
0x39: {  	_ = 	snop;
	(pc) =	sbr.ind lr, $3  }
0x3a: {  	_ = 	snop  }
0x3b: {  	_ = 	snop  }
0x3c: {  	p2 =	seq.s32 s10, $0x1;
	s10 =	sld [smem:$0x3FB3]  }
0x3d: {  	_ =	shalt  }
0x3e: {  	_ =	shalt  }
0x3f: {  	_ =	shalt  }
0x40: {  	_ =	shalt  }
0x41: {  	_ =	shalt  }
0x42: {  	_ =	shalt  }
0x43: {  	_ =	shalt  }
0x44: {  	_ =	shalt  }
0x45: {  	_ =	shalt  }
0x46: {  	_ =	shalt  }
0x47: {  	_ =	shalt  }
0x48: {  	_ =	shalt  }
0x49: {  	_ =	shalt  }
0x4a: {  	_ =	shalt  }
0x4b: {  	_ =	shalt  }
0x4c: {  	_ =	shalt  }
0x4d: {  	_ =	shalt  }
0x4e: {  	_ =	shalt  }
0x4f: {  	_ =	shalt  }
0x50: {  	_ =	shalt  }
0x51: {  	_ =	shalt  }
0x52: {  	_ =	shalt  }
0x53: {  	_ =	shalt  }
0x54: {  	_ =	shalt  }
0x55: {  	_ =	shalt  }
0x56: {  	_ =	shalt  }
0x57: {  	_ =	shalt  }
0x58: {  	_ =	shalt  }
0x59: {  	_ =	shalt  }
0x5a: {  	_ =	shalt  }
0x5b: {  	_ =	shalt  }
0x5c: {  	_ =	shalt  }
0x5d: {  	_ =	shalt  }
0x5e: {  	_ =	shalt  }
0x5f: {  	_ =	shalt  }
0x60: {  	_ =	shalt  }
0x61: {  	_ =	shalt  }
0x62: {  	_ =	shalt  }
0x63: {  	_ =	shalt  }
0x64: {  	_ =	shalt  }
0x65: {  	_ =	shalt  }
0x66: {  	_ =	shalt  }
0x67: {  	_ =	shalt  }
0x68: {  	_ =	shalt  }
0x69: {  	_ =	shalt  }
0x6a: {  	_ =	shalt  }
0x6b: {  	_ =	shalt  }
0x6c: {  	_ =	shalt  }
0x6d: {  	_ =	shalt  }
0x6e: {  	_ =	shalt  }
0x6f: {  	_ =	shalt  }
0x70: {  	_ =	shalt  }
0x71: {  	_ =	shalt  }
0x72: {  	_ =	shalt  }
0x73: {  	_ =	shalt  }
0x74: {  	_ =	shalt  }
0x75: {  	_ =	shalt  }
0x76: {  	_ =	shalt  }
0x77: {  	_ =	shalt  }
0x78: {  	_ =	shalt  }
0x79: {  	_ =	shalt  }
0x7a: {  	_ =	shalt  }
0x7b: {  	_ =	shalt  }
0x7c: {  	_ =	shalt  }
0x7d: {  	_ =	shalt  }
0x7e: {  	_ =	shalt  }
0x7f: {  	_ =	shalt  }
0x80: {  	_ =	shalt  }
0x81: {  	_ =	shalt  }
0x82: {  	_ =	shalt  }
0x83: {  	_ =	shalt  }
0x84: {  	_ =	shalt  }
0x85: {  	_ =	shalt  }
0x86: {  	_ =	shalt  }
0x87: {  	_ =	shalt  }
.Lfunc_end0:
.L_simem_size_0:
called_computation_lowered:
.L_overlay_start_0:
0x88: {  	s2 =	sld [smem:$0x3FD9]  }
0x89: {  	s3 =	sld [smem:$0x3FFE];
	_ =	sdelay $0x1  }
0x8a: {  	s1 =	srdreg.scid  }
0x8b: {  	s0 =	sand.u32 $0x1, s1  }
0x8c: {  	s17 =	sshll.u32 s0, $0xA;
	s2 =	sadd.s32 s3, s2  }
0x8d: {  	s2 =	sadd.s32 s2, s17  }
0x8e: {  	[smem:$0x3FBF] =	sst s2  }
0x8f: {  	_ = 	snop  }
0x90: {  	s2 =	sld [smem:$0x3FD0];
	(tm) =	ssettm $0x1  }
0x91: {  	s18 =	sld [smem:$0x3FFB];
	_ =	sdelay $0x3  }
0x92: {  	_ =	strace s18  }
0x93: {  	s3 =	sld [smem:$0x3FFC];
	_ =	sdelay $0x3  }
0x94: {  	_ =	strace s3  }
0x95: {  	s3 =	sld [smem:$0x3FFD];
	_ =	sdelay $0x3  }
0x96: {  	_ =	strace s3  }
0x97: {  	_ =	strace $0x8FFFFFFF  }
0x98: {  	s19 =	sld [smem:$0x3FDB];
	_ =	sdelay $0x1  }
0x99: {  	s4 =	simm.s32 $_scs_section_size  }
0x9a: {  	s5 =	simm.s32 $_size__tile_overlayer_lowered;
	s6 =	simm.s32 $_tile_overlayer_lowered  }
0x9b: {  	s22 =	simm.s32 $0x1BFF;
	s21 =	sshll.u32 s6, $0x1;
	s3 =	sadd.s32 s4, s19  }
0x9c: {  	s7 =	simm.s32 $0x0;
	s20 =	sshll.u32 s5, $0x1;
	s5 =	sadd.s32 s21, s3  }
0x9d: {  	[timem:s7], [sflag:s22] =	dma.local [hbm:s5], s20  }
0x9e: {  	_ =	swait.ge [sflag:s22], s20  }
0x9f: {  	s4 =	ssub.s32 $0x0, s20;
	[sflag:s22] =	ssyncset.done $0x0  }
0xa0: {  	[sflag:s22] =	ssyncadd.s32 s4;
	_ =	sdelay $0x1  }
0xa1: {  	s23 =	simm.s32 $0x1B8B  }
0xa2: {  	_ =	swait.ge [sflag:s23], $0x1  }
0xa3: {  	[sflag:s23] =	ssyncset.done $0x0  }
0xa4: {  	s25 =	simm.s32 $0x1B8E;
	s24 =	sld [smem:$0x3FFE];
	[sflag:s23] =	ssyncadd.s32 $0xFFFFFFFF  }
0xa5: {  	s26 =	simm.s32 $execute0_lowered;
	[smem:$0x3FD2] =	sst s25  }
0xa6: {  	s5 =	sshll.u32 s26, $0x1;
	_ =	strace $0x80000046;
	[dreg:$0x1] =	wrdreg $0xFFFFFFFF  }
0xa7: {  	s28 =	simm.s32 $_size_execute0_lowered;
	s3 =	sadd.s32 s3, s5;
	[dreg:$0x0] =	wrdreg $0x0  }
0xa8: {  	s5 =	sshll.u32 s28, $0x1;
	[dreg:$0x2] =	wrdreg s3  }
0xa9: {  	[dreg:$0x3] =	wrdreg s5  }
0xaa: {  	[dreg:$0x4] =	wrdreg $0xC0  }
0xab: {  	_ =	task [dreg:s7], $0x5FFFF  }
0xac: {  	[dreg:$0x1] =	wrdreg $0xFFFFFFFF  }
0xad: {  	[dreg:$0x0] =	wrdreg $0x60  }
0xae: {  	[dreg:$0x2] =	wrdreg s2  }
0xaf: {  	[dreg:$0x3] =	wrdreg s24  }
0xb0: {  	[dreg:$0x4] =	wrdreg $0x7A000  }
0xb1: {  	[dreg:$0x5] =	wrdreg $0x9  }
0xb2: {  	_ =	task.clear_ibuf [dreg:s7], $0x6FFFF;
	_ =	strace $0x90000046  }
0xb3: {  	s29 =	simm.s32 $0x9;
	_ =	strace $0x80000048  }
0xb4: {  	_ =	swait.ge [sflag:s29], $0x1  }
0xb5: {  	[sflag:s29] =	ssyncadd.s32 $0xFFFFFFFF  }
0xb6: {  	_ =	strace $0x90000048  }
0xb7: {  	_ =	sfence  }
0xb8: {  	s30 =	sld [smem:$0x0];
	_ =	sdelay $0x2  }
0xb9: {  	s31 =	sshll.u32 s1, $0xD;
	s1 =	sshrl.u32 s1, $0x2  }
0xba: {  	s3 =	sand.u32 $0x4000, s31;
	s1 =	sadd.s32 s1, s30  }
0xbb: {  	s0 =	sor.u32 s3, s0;
	s1 =	sshll.u32 s1, $0x11  }
0xbc: {  	s0 =	sor.u32 s1, s0  }
0xbd: {  	s0 =	sadd.s32 $0x8F2B, s0  }
0xbe: {  	[sflag:s0] =	ssyncadd.remote.s32 $0x1  }
0xbf: {  	_ =	sfence.sel $0xFFFF  }
0xc0: {  	[dreg:$0x0] =	wrdreg $0xFFFFFFFF;
	(pc) =	sbr.abs _section_cstart, $3  }
0xc1: {  	[dreg:$0x1] =	wrdreg $0xFFFFFFFF  }
0xc2: {  	_ =	task.clear_ibuf [dreg:s7], $0x2FFFF;
	_ =	strace $0x9FFFFFFF  }
0xc3: {  	(tm) =	ssettm $0x7FFFFFFF  }
tec
execute0_lowered:
.L_overlay_start_1:
0x0: {  	(tag) =	ssettag $0x1  }
0x1: {  	s1 =	rddreg [dreg:$0x0]  }
0x2: {  	s0 =	rddreg [dreg:$0x1]  }
0x3: {  	s3 =	rddreg [dreg:$0x2];
	s4 =	simm.s32 $0x0  }
0x4: {  	s15 =	stileid.u32;
	s2 =	srdreg.scid;
	s28 =	simm.s32 $0x1600  }
0x5: {  	s29 =	simm.s32 $0x2A00;
	s30 =	simm.s32 $0x100;
	s31 =	simm.s32 $0x180  }
0x6: {  	[smem:$0x7FF] =	sst s4;
	s9 =	smul.u32 $0x3E80, s15;
	s2 =	sand.u32 $0x1, s2  }
0x7: {  	s5 =	sadd.s32 $0x29200, s0;
	s6 =	sadd.s32 $0x51EE00, s0;
	s11 =	smul.u32 $0x1F400, s15  }
0x8: {  	s7 =	sadd.s32 $0x515000, s0;
	s8 =	sadd.s32 $0x50B200, s0;
	s12 =	smul.u32 $0x7D000, s15  }
0x9: {  	p0 =	sgt.u32 s15, $0x9;
	_ =	strace $0x80000047;
	s17 =	sshll.u32 s2, $0x4  }
0xa: {  	s10 =	smul.u32 $0x138800, s2;
	s2 =	ssub.s32 $0x2, s2;
	s13 =	sor.u32 s15, s17  }
0xb: {  	s9 =	sadd.s32 s9, s0;
	s18 =	sshrl.u32 s2, $0x1;
	s14 =	smul.u32 $0x2710, s13  }
0xc: {  	s12 =	sshrl.u32 s12, $0x2;
	s10 =	sadd.s32 s11, s10;
	s20 =	smul.u32 $0x27100, s13  }
0xd: {  	s2 =	ssub.s32 s2, s18;
	s9 =	sadd.s32 $0x50400, s9;
	s13 =	smul.u32 $0x138800, s13  }
0xe: {  	s10 =	sshrl.u32 s10, $0x3;
	[dreg:$0x4] =	wrdreg s9;
	s26 =	smax.u32 s2, $0x1  }
0xf: {  	s2 =	simm.s32 $0x5200;
	s0 =	sadd.s32 s10, s0;
	s10 =	sadd.s32 s12, s3  }
0x10: {  	s19 =	sshrl.u32 s14, $0x3;
	s11 =	sadd.s32 $0x28, s14;
	s22 =	sadd.s32 s6, s20  }
0x11: {  	s25 =	sshrl.u32 s13, $0x3;
	s16 =	sadd.s32 $0x50, s14;
	s17 =	sadd.s32 $0x78, s14  }
0x12: {  	[dreg:$0xc] =	wrdreg s26;
	s26 =	simm.s32 $0x200;
	s12 =	simm.s32 $0x2  }
0x13: {  	s13 =	simm.s32 $0x0;
	s21 =	sadd.s32 s7, s19;
	[dreg:$0x7] =	wrdreg s22  }
0x14: {  	s9 =	sadd.s32 s8, s19;
	s23 =	sshrl.u32 s11, $0x3;
	[dreg:$0x5] =	wrdreg s21  }
0x15: {  	s0 =	sadd.s32 $0x77600, s0;
	s19 =	sshrl.u32 @!p0 s10, $0x3;
	[dreg:$0x6] =	wrdreg s9  }
0x16: {  	s10 =	simm.s32 $0x1;
	s9 =	sadd.s32 s8, s23;
	[dreg:$0xb] =	wrdreg s0  }
0x17: {  	s24 =	sadd.s32 s7, s23;
	[dreg:$0x9] =	wrdreg s9;
	s9 =	sadd.s32 s6, s25  }
0x18: {  	s23 =	simm.s32 $0x3;
	s0 =	simm.s32 $0x3E00;
	s9 =	sadd.s32 $0x26E80, s9  }
0x19: {  	s21 =	simm.s32 $0x0;
	[dreg:$0xa] =	wrdreg s9;
	s9 =	sshll.u32 @!p0 s15, $0x6  }
0x1a: {  	[dreg:$0x8] =	wrdreg s24;
	s24 =	simm.s32 $0x80;
	s18 =	sor.u32 @!p0 $0x1C03, s9  }
0x1b: {  	s25 =	simm.s32 $0x28;
	s9 =	simm.s32 $0x6600;
	[dreg:$0xd] =	wrdreg s18  }
.LBB2_1:
0x1c: {  	s14 =	rddreg [dreg:$0x4]  }
0x1d: {  	[spmem:s19], [sflag:s18] =	dma.local @!p0 [hbm:s14], $0x3E80  }
0x1e: {  	s14 =	simm.s32 @!p0 $0x3  }
0x1f: {  	_ =	swait.ge @!p0 [sflag:s14], $0x3E80  }
0x20: {  	[sflag:s14] =	ssyncset.done @!p0 $0x0  }
0x21: {  	[sflag:s14] =	ssyncadd.s32 @!p0 $0xFFFFC180  }
0x22: {  	[bflag:$0x0] =	sbarrier.arrive $0xFFFF  }
0x23: {  	s20 =	rddreg [dreg:$0x5]  }
0x24: {  	[tilespmem:s4], [sflag:$0x3] =	stream.linear.gather [hbm4b:s20+s4], $0x28, $0x38;
	[tilespmem:$0x1B280] =	vst v63  }
0x25: {  	_ =	swait.ge [sflag:s23], $0x28  }
0x26: {  	[sflag:s23] =	ssyncset.done $0x0  }
0x27: {  	s15 =	rddreg [dreg:$0x6];
	[sflag:s23] =	ssyncadd.s32 $0xFFFFFFD8  }
0x28: {  	[tilespmem:s24], [sflag:$0x3] =	stream.linear.gather [hbm4b:s15+s4], $0x28, $0x38;
	[tilespmem:$0x1B280] =	vst v63  }
0x29: {  	_ =	swait.ge [sflag:s23], $0x28  }
0x2a: {  	[sflag:s23] =	ssyncset.done $0x0  }
0x2b: {  	[sflag:s23] =	ssyncadd.s32 $0xFFFFFFD8  }
0x2c: {  	[tilespmem:s26], [sflag:$0x1] =	stream.indirect.gather [hbm4b:s1+s25], $0x80, s4, s25, $0xb8;
	[tilespmem:$0x1B280] =	vst v63  }
0x2d: {  	_ = 	snop  }
0x2e: {  	[tilespmem:s28], [sflag:$0x1] =	stream.indirect.gather [hbm4b:s5+s25], $0x80, s24, s25, $0xb8;
	[tilespmem:$0x1B280] =	vst v63  }
0x2f: {  	s18 =	rddreg [dreg:$0x7]  }
0x30: {  	[tilespmem:s29], [sflag:$0x1] =	stream.linear.gather [hbm4b:s18+s4], $0x1400, $0x38;
	[tilespmem:$0x1B280] =	vst v63  }
0x31: {  	s22 =	smov.u32 s19;
	s19 =	rddreg [dreg:$0x8]  }
0x32: {  	[tilespmem:s30], [sflag:$0x3] =	stream.linear.gather [hbm4b:s19+s4], $0x28, $0x38;
	[tilespmem:$0x1B280] =	vst v63  }
0x33: {  	_ =	swait.ge [sflag:s23], $0x28  }
0x34: {  	[sflag:s23] =	ssyncset.done $0x0  }
0x35: {  	s20 =	rddreg [dreg:$0x9];
	[sflag:s23] =	ssyncadd.s32 $0xFFFFFFD8  }
0x36: {  	[tilespmem:s31], [sflag:$0x3] =	stream.linear.gather [hbm4b:s20+s4], $0x28, $0x38;
	[tilespmem:$0x1B280] =	vst v63  }
0x37: {  	_ =	swait.ge [sflag:s23], $0x28  }
0x38: {  	[sflag:s23] =	ssyncset.done $0x0  }
0x39: {  	s14 =	simm.s32 $0x0;
	[sflag:s23] =	ssyncadd.s32 $0xFFFFFFD8  }
.LBB2_2:
0x3a: {  	[tilespmem:s0], [sflag:$0x2] =	stream.indirect.gather [hbm4b:s1+s25], $0x80, s30, s25, $0xb8;
	[tilespmem:$0x1B280] =	vst v63  }
0x3b: {  	s15 =	smul.u32 $0x50, s14  }
0x3c: {  	[tilespmem:s2], [sflag:$0x2] =	stream.indirect.gather [hbm4b:s5+s25], $0x80, s31, s25, $0xb8;
	[tilespmem:$0x1B280] =	vst v63  }
0x3d: {  	s18 =	sadd.s32 s15, s11  }
0x3e: {  	s18 =	sshll.u32 s18, $0x4  }
0x3f: {  	s19 =	simm.s32 $0x0;
	s18 =	sadd.s32 s6, s18  }
0x40: {  	[tilespmem:s9], [sflag:$0x2] =	stream.linear.gather [hbm4b:s18+s19], $0x1400, $0x38;
	[tilespmem:$0x1B280] =	vst v63  }
0x41: {  	_ =	swait.ge [sflag:s10], $0x1400  }
0x42: {  	[sflag:s10] =	ssyncset.done $0x0  }
0x43: {  	[sflag:s10] =	ssyncadd.s32 $0xFFFFEC00  }
0x44: {  	_ =	swait.ge [sflag:s10], $0x1400  }
0x45: {  	[sflag:s10] =	ssyncset.done $0x0  }
0x46: {  	[sflag:s10] =	ssyncadd.s32 $0xFFFFEC00  }
0x47: {  	_ =	swait.ge [sflag:s10], $0x1400  }
0x48: {  	[sflag:s10] =	ssyncset.done $0x0  }
0x49: {  	s18 =	simm.s32 $0x0;
	[sflag:s10] =	ssyncadd.s32 $0xFFFFEC00  }
0x4a: {  	v12 =	vld [tilespmem:s18+$0x200]  }
0x4b: {  	v17 =	vld [tilespmem:s18+$0x1600]  }
0x4c: {  	v19 =	vld [tilespmem:s18+$0x210]  }
0x4d: {  	v20 =	vld [tilespmem:s18+$0x1610]  }
0x4e: {  	v5 =	vld [tilespmem:s18+$0x220]  }
0x4f: {  	v9 =	vld [tilespmem:s18+$0x1620]  }
0x50: {  	v7 =	vld [tilespmem:s18+$0x230]  }
0x51: {  	v11 =	vld [tilespmem:s18+$0x1630]  }
0x52: {  	v8 =	vld [tilespmem:s18+$0x240]  }
0x53: {  	v10 =	vld [tilespmem:s18+$0x1640]  }
0x54: {  	v4 =	vld [tilespmem:s18+$0x250]  }
0x55: {  	v6 =	vld [tilespmem:s18+$0x1650]  }
0x56: {  	v2 =	vld [tilespmem:s18+$0x260]  }
0x57: {  	v3 =	vld [tilespmem:s18+$0x1660]  }
0x58: {  	v0 =	vld [tilespmem:s18+$0x270]  }
0x59: {  	v1 =	vld [tilespmem:s18+$0x1670]  }
0x5a: {  	v16 =	vld [tilespmem:s18+$0x2A00]  }
0x5b: {  	v15 =	vld [tilespmem:s18+$0x2A10]  }
0x5c: {  	v14 =	vld [tilespmem:s18+$0x2A20]  }
0x5d: {  	v13 =	vld [tilespmem:s18+$0x2A30];
	v18 =	vadd.f32 v17, v12  }
0x5e: {  	s19 =	simm.s32 $0x200;
	v17 =	vadd.f32 v20, v19;
	v12 =	vld [tilespmem:s18+$0x2A40]  }
.LBB2_3:
0x5f: {  	p1 =	sne.s32 s19, $0x4E00;
	v16 =	vadd.f32 v16, v18;
	v5 =	vadd.f32 v9, v5;
	v9 =	vld [tilespmem:s18+$0x2A50]  }
0x60: {  	v7 =	vadd.f32 v11, v7;
	v15 =	vadd.f32 v15, v17;
	v11 =	vld [tilespmem:s18+$0x2A60]  }
0x61: {  	s20 =	sshra.s32 s19, $0x2;
	v8 =	vadd.f32 v10, v8;
	v16 =	vmax.f32 v16, $0.0e+00;
	v5 =	vadd.f32 v14, v5;
	v10 =	vld [tilespmem:s18+$0x2A70]  }
0x62: {  	v4 =	vadd.f32 v6, v4;
	v17 =	vld [tilespmem:s20+$0x200];
	[tilespmem:s18+$0x2A00] =	vst v16;
	v14 =	vmax.f32 v15, $0.0e+00;
	v7 =	vadd.f32 v13, v7  }
0x63: {  	v2 =	vadd.f32 v3, v2;
	v13 =	vld [tilespmem:s20+$0x1600];
	[tilespmem:s18+$0x2A10] =	vst v14;
	v5 =	vmax.f32 v5, $0.0e+00;
	v6 =	vadd.f32 v12, v8  }
0x64: {  	v0 =	vadd.f32 v1, v0;
	v12 =	vld [tilespmem:s20+$0x210];
	[tilespmem:s18+$0x2A20] =	vst v5;
	v3 =	vmax.f32 v7, $0.0e+00;
	v4 =	vadd.f32 v9, v4  }
0x65: {  	v19 =	vld [tilespmem:s20+$0x1610];
	[tilespmem:s18+$0x2A30] =	vst v3;
	v1 =	vmax.f32 v6, $0.0e+00;
	v2 =	vadd.f32 v11, v2  }
0x66: {  	v5 =	vld [tilespmem:s20+$0x220];
	[tilespmem:s18+$0x2A40] =	vst v1;
	v1 =	vmax.f32 v4, $0.0e+00;
	v0 =	vadd.f32 v10, v0  }
0x67: {  	v9 =	vld [tilespmem:s20+$0x1620];
	[tilespmem:s18+$0x2A50] =	vst v1;
	v1 =	vmax.f32 v2, $0.0e+00  }
0x68: {  	v7 =	vld [tilespmem:s20+$0x230];
	[tilespmem:s18+$0x2A60] =	vst v1;
	v0 =	vmax.f32 v0, $0.0e+00  }
0x69: {  	v11 =	vld [tilespmem:s20+$0x1630];
	[tilespmem:s18+$0x2A70] =	vst v0;
	s18 =	smov.u32 s20  }
0x6a: {  	v8 =	vld [tilespmem:s18+$0x240]  }
0x6b: {  	v10 =	vld [tilespmem:s18+$0x1640]  }
0x6c: {  	v4 =	vld [tilespmem:s18+$0x250]  }
0x6d: {  	v6 =	vld [tilespmem:s18+$0x1650]  }
0x6e: {  	v2 =	vld [tilespmem:s18+$0x260]  }
0x6f: {  	v3 =	vld [tilespmem:s18+$0x1660]  }
0x70: {  	v0 =	vld [tilespmem:s18+$0x270]  }
0x71: {  	v1 =	vld [tilespmem:s18+$0x1670]  }
.Ltmp0:
0x72: {  	v16 =	vld [tilespmem:s18+$0x2A00];
	(pc) =	sbr.rel @p1 .LBB2_3-.Ltmp0, $4  }
0x73: {  	v15 =	vld [tilespmem:s18+$0x2A10]  }
0x74: {  	v14 =	vld [tilespmem:s18+$0x2A20]  }
0x75: {  	v18 =	vadd.f32 v13, v17;
	v13 =	vld [tilespmem:s18+$0x2A30]  }
0x76: {  	s19 =	sadd.s32 $0x200, s19;
	v17 =	vadd.f32 v19, v12;
	v12 =	vld [tilespmem:s18+$0x2A40]  }
0x77: {  	v16 =	vadd.f32 v16, v18  }
0x78: {  	v5 =	vadd.f32 v9, v5;
	v9 =	vld [tilespmem:s18+$0x2A50];
	v7 =	vadd.f32 v11, v7  }
0x79: {  	v8 =	vadd.f32 v10, v8;
	v10 =	vld [tilespmem:s18+$0x2A70];
	v15 =	vadd.f32 v15, v17  }
0x7a: {  	v11 =	vld [tilespmem:s18+$0x2A60];
	v16 =	vmax.f32 v16, $0.0e+00;
	v5 =	vadd.f32 v14, v5  }
0x7b: {  	v4 =	vadd.f32 v6, v4;
	[tilespmem:s18+$0x2A00] =	vst v16;
	v14 =	vmax.f32 v15, $0.0e+00;
	v7 =	vadd.f32 v13, v7  }
0x7c: {  	v0 =	vadd.f32 v1, v0;
	[tilespmem:s18+$0x2A10] =	vst v14;
	v5 =	vmax.f32 v5, $0.0e+00;
	v6 =	vadd.f32 v12, v8  }
0x7d: {  	v2 =	vadd.f32 v3, v2;
	[tilespmem:s18+$0x2A20] =	vst v5;
	v3 =	vmax.f32 v7, $0.0e+00;
	v4 =	vadd.f32 v9, v4  }
0x7e: {  	v0 =	vadd.f32 v10, v0;
	[tilespmem:s18+$0x2A30] =	vst v3;
	v1 =	vmax.f32 v6, $0.0e+00  }
0x7f: {  	v2 =	vadd.f32 v11, v2;
	[tilespmem:s18+$0x2A40] =	vst v1;
	v1 =	vmax.f32 v4, $0.0e+00  }
0x80: {  	v0 =	vmax.f32 v0, $0.0e+00;
	[tilespmem:s18+$0x2A50] =	vst v1  }
0x81: {  	v1 =	vmax.f32 v2, $0.0e+00;
	[tilespmem:s18+$0x2A70] =	vst v0  }
0x82: {  	[tilespmem:s18+$0x2A60] =	vst v1  }
0x83: {  	[spmem:s3] =	stream.indirect.scatter.add.f32 [tilespmem:s29], [sflag:$0x3], $0x80, s24, s25, $0xb8;
	[tilespmem:$0x1B280] =	vst v63  }
0x84: {  	s18 =	sadd.s32 s15, s16;
	_ =	swait.ge [sflag:s23], $0x1400  }
0x85: {  	s19 =	sshrl.u32 s18, $0x3;
	[sflag:s23] =	ssyncset.done $0x0  }
0x86: {  	s20 =	sadd.s32 s7, s19;
	[sflag:s23] =	ssyncadd.s32 $0xFFFFEC00  }
0x87: {  	[tilespmem:s21], [sflag:$0x3] =	stream.linear.gather [hbm4b:s20+s21], $0x28, $0x38;
	[tilespmem:$0x1B280] =	vst v63  }
0x88: {  	_ =	swait.ge [sflag:s23], $0x28  }
0x89: {  	[sflag:s23] =	ssyncset.done $0x0  }
0x8a: {  	s19 =	sadd.s32 s8, s19;
	[sflag:s23] =	ssyncadd.s32 $0xFFFFFFD8  }
0x8b: {  	[tilespmem:s24], [sflag:$0x3] =	stream.linear.gather [hbm4b:s19+s21], $0x28, $0x38;
	[tilespmem:$0x1B280] =	vst v63  }
0x8c: {  	_ =	swait.ge [sflag:s23], $0x28  }
0x8d: {  	[sflag:s23] =	ssyncset.done $0x0  }
0x8e: {  	[sflag:s23] =	ssyncadd.s32 $0xFFFFFFD8  }
0x8f: {  	[tilespmem:s26], [sflag:$0x1] =	stream.indirect.gather [hbm4b:s1+s25], $0x80, s21, s25, $0xb8;
	[tilespmem:$0x1B280] =	vst v63  }
0x90: {  	s18 =	sshll.u32 s18, $0x4  }
0x91: {  	[tilespmem:s28], [sflag:$0x1] =	stream.indirect.gather [hbm4b:s5+s25], $0x80, s24, s25, $0xb8;
	[tilespmem:$0x1B280] =	vst v63  }
0x92: {  	s18 =	sadd.s32 s6, s18  }
0x93: {  	[tilespmem:s29], [sflag:$0x1] =	stream.linear.gather [hbm4b:s18+s21], $0x1400, $0x38;
	[tilespmem:$0x1B280] =	vst v63  }
0x94: {  	_ =	swait.ge [sflag:s12], $0x1400  }
0x95: {  	[sflag:s12] =	ssyncset.done $0x0  }
0x96: {  	[sflag:s12] =	ssyncadd.s32 $0xFFFFEC00  }
0x97: {  	_ =	swait.ge [sflag:s12], $0x1400  }
0x98: {  	[sflag:s12] =	ssyncset.done $0x0  }
0x99: {  	[sflag:s12] =	ssyncadd.s32 $0xFFFFEC00  }
0x9a: {  	_ =	swait.ge [sflag:s12], $0x1400  }
0x9b: {  	[sflag:s12] =	ssyncset.done $0x0  }
0x9c: {  	s18 =	simm.s32 $0x0;
	[sflag:s12] =	ssyncadd.s32 $0xFFFFEC00  }
0x9d: {  	v12 =	vld [tilespmem:s18+$0x3E00]  }
0x9e: {  	v17 =	vld [tilespmem:s18+$0x5200]  }
0x9f: {  	v19 =	vld [tilespmem:s18+$0x3E10]  }
0xa0: {  	v20 =	vld [tilespmem:s18+$0x5210]  }
0xa1: {  	v5 =	vld [tilespmem:s18+$0x3E20]  }
0xa2: {  	v9 =	vld [tilespmem:s18+$0x5220]  }
0xa3: {  	v7 =	vld [tilespmem:s18+$0x3E30]  }
0xa4: {  	v11 =	vld [tilespmem:s18+$0x5230]  }
0xa5: {  	v8 =	vld [tilespmem:s18+$0x3E40]  }
0xa6: {  	v10 =	vld [tilespmem:s18+$0x5240]  }
0xa7: {  	v4 =	vld [tilespmem:s18+$0x3E50]  }
0xa8: {  	v6 =	vld [tilespmem:s18+$0x5250]  }
0xa9: {  	v2 =	vld [tilespmem:s18+$0x3E60]  }
0xaa: {  	v3 =	vld [tilespmem:s18+$0x5260]  }
0xab: {  	v0 =	vld [tilespmem:s18+$0x3E70]  }
0xac: {  	v1 =	vld [tilespmem:s18+$0x5270]  }
0xad: {  	v16 =	vld [tilespmem:s18+$0x6600]  }
0xae: {  	v15 =	vld [tilespmem:s18+$0x6610]  }
0xaf: {  	v14 =	vld [tilespmem:s18+$0x6620]  }
0xb0: {  	v13 =	vld [tilespmem:s18+$0x6630];
	v18 =	vadd.f32 v17, v12  }
0xb1: {  	s19 =	simm.s32 $0x200;
	v17 =	vadd.f32 v20, v19;
	v12 =	vld [tilespmem:s18+$0x6640]  }
.LBB2_5:
0xb2: {  	p1 =	sne.s32 s19, $0x4E00;
	v16 =	vadd.f32 v16, v18;
	v5 =	vadd.f32 v9, v5;
	v9 =	vld [tilespmem:s18+$0x6650]  }
0xb3: {  	v7 =	vadd.f32 v11, v7;
	v15 =	vadd.f32 v15, v17;
	v11 =	vld [tilespmem:s18+$0x6660]  }
0xb4: {  	s20 =	sshra.s32 s19, $0x2;
	v8 =	vadd.f32 v10, v8;
	v16 =	vmax.f32 v16, $0.0e+00;
	v5 =	vadd.f32 v14, v5;
	v10 =	vld [tilespmem:s18+$0x6670]  }
0xb5: {  	v4 =	vadd.f32 v6, v4;
	v17 =	vld [tilespmem:s20+$0x3E00];
	[tilespmem:s18+$0x6600] =	vst v16;
	v14 =	vmax.f32 v15, $0.0e+00;
	v7 =	vadd.f32 v13, v7  }
0xb6: {  	v2 =	vadd.f32 v3, v2;
	v13 =	vld [tilespmem:s20+$0x5200];
	[tilespmem:s18+$0x6610] =	vst v14;
	v5 =	vmax.f32 v5, $0.0e+00;
	v6 =	vadd.f32 v12, v8  }
0xb7: {  	v0 =	vadd.f32 v1, v0;
	v12 =	vld [tilespmem:s20+$0x3E10];
	[tilespmem:s18+$0x6620] =	vst v5;
	v3 =	vmax.f32 v7, $0.0e+00;
	v4 =	vadd.f32 v9, v4  }
0xb8: {  	v19 =	vld [tilespmem:s20+$0x5210];
	[tilespmem:s18+$0x6630] =	vst v3;
	v1 =	vmax.f32 v6, $0.0e+00;
	v2 =	vadd.f32 v11, v2  }
0xb9: {  	v5 =	vld [tilespmem:s20+$0x3E20];
	[tilespmem:s18+$0x6640] =	vst v1;
	v1 =	vmax.f32 v4, $0.0e+00;
	v0 =	vadd.f32 v10, v0  }
0xba: {  	v9 =	vld [tilespmem:s20+$0x5220];
	[tilespmem:s18+$0x6650] =	vst v1;
	v1 =	vmax.f32 v2, $0.0e+00  }
0xbb: {  	v7 =	vld [tilespmem:s20+$0x3E30];
	[tilespmem:s18+$0x6660] =	vst v1;
	v0 =	vmax.f32 v0, $0.0e+00  }
0xbc: {  	v11 =	vld [tilespmem:s20+$0x5230];
	[tilespmem:s18+$0x6670] =	vst v0;
	s18 =	smov.u32 s20  }
0xbd: {  	v8 =	vld [tilespmem:s18+$0x3E40]  }
0xbe: {  	v10 =	vld [tilespmem:s18+$0x5240]  }
0xbf: {  	v4 =	vld [tilespmem:s18+$0x3E50]  }
0xc0: {  	v6 =	vld [tilespmem:s18+$0x5250]  }
0xc1: {  	v2 =	vld [tilespmem:s18+$0x3E60]  }
0xc2: {  	v3 =	vld [tilespmem:s18+$0x5260]  }
0xc3: {  	v0 =	vld [tilespmem:s18+$0x3E70]  }
0xc4: {  	v1 =	vld [tilespmem:s18+$0x5270]  }
.Ltmp1:
0xc5: {  	v16 =	vld [tilespmem:s18+$0x6600];
	(pc) =	sbr.rel @p1 .LBB2_5-.Ltmp1, $4  }
0xc6: {  	v15 =	vld [tilespmem:s18+$0x6610]  }
0xc7: {  	v14 =	vld [tilespmem:s18+$0x6620]  }
0xc8: {  	v18 =	vadd.f32 v13, v17;
	v13 =	vld [tilespmem:s18+$0x6630]  }
0xc9: {  	s19 =	sadd.s32 $0x200, s19;
	v17 =	vadd.f32 v19, v12;
	v12 =	vld [tilespmem:s18+$0x6640]  }
0xca: {  	v16 =	vadd.f32 v16, v18;
	v5 =	vadd.f32 v9, v5;
	v55 =	vld [tilespmem:s18+$0x6650]  }
0xcb: {  	v7 =	vadd.f32 v11, v7;
	v56 =	vld [tilespmem:s18+$0x6660];
	v15 =	vadd.f32 v15, v17  }
0xcc: {  	v8 =	vadd.f32 v10, v8;
	v57 =	vld [tilespmem:s18+$0x6670];
	v16 =	vmax.f32 v16, $0.0e+00;
	v5 =	vadd.f32 v14, v5  }
0xcd: {  	v4 =	vadd.f32 v6, v4;
	[tilespmem:s18+$0x6600] =	vst v16;
	v58 =	vmax.f32 v15, $0.0e+00;
	v7 =	vadd.f32 v13, v7  }
0xce: {  	v2 =	vadd.f32 v3, v2;
	[tilespmem:s18+$0x6610] =	vst v58;
	v5 =	vmax.f32 v5, $0.0e+00;
	v59 =	vadd.f32 v12, v8  }
0xcf: {  	v0 =	vadd.f32 v1, v0;
	[tilespmem:s18+$0x6620] =	vst v5;
	v60 =	vmax.f32 v7, $0.0e+00;
	v4 =	vadd.f32 v55, v4  }
0xd0: {  	v2 =	vadd.f32 v56, v2;
	[tilespmem:s18+$0x6630] =	vst v60;
	v61 =	vmax.f32 v59, $0.0e+00  }
0xd1: {  	v0 =	vadd.f32 v57, v0;
	[tilespmem:s18+$0x6640] =	vst v61;
	v62 =	vmax.f32 v4, $0.0e+00  }
0xd2: {  	v63 =	vmax.f32 v2, $0.0e+00;
	[tilespmem:s18+$0x6650] =	vst v62  }
0xd3: {  	v0 =	vmax.f32 v0, $0.0e+00;
	[tilespmem:s18+$0x6660] =	vst v63  }
0xd4: {  	[tilespmem:s18+$0x6670] =	vst v0  }
0xd5: {  	[spmem:s3] =	stream.indirect.scatter.add.f32 [tilespmem:s9], [sflag:$0x3], $0x80, s31, s25, $0xb8;
	[tilespmem:$0x1B280] =	vst v63  }
0xd6: {  	s15 =	sadd.s32 s15, s17;
	_ =	swait.ge [sflag:s23], $0x1400  }
0xd7: {  	s15 =	sshrl.u32 s15, $0x3;
	[sflag:s23] =	ssyncset.done $0x0  }
0xd8: {  	s20 =	sadd.s32 s7, s15;
	[sflag:s23] =	ssyncadd.s32 $0xFFFFEC00  }
0xd9: {  	[tilespmem:s30], [sflag:$0x3] =	stream.linear.gather [hbm4b:s20+s4], $0x28, $0x38;
	[tilespmem:$0x1B280] =	vst v63  }
0xda: {  	s14 =	sadd.s32 $0x1, s14;
	_ =	swait.ge [sflag:s23], $0x28  }
0xdb: {  	p1 =	sne.s32 s14, $0x7C;
	[sflag:s23] =	ssyncset.done $0x0  }
.Ltmp2:
0xdc: {  	s15 =	sadd.s32 s8, s15;
	[sflag:s23] =	ssyncadd.s32 $0xFFFFFFD8;
	(pc) =	sbr.rel @p1 .LBB2_2-.Ltmp2, $4  }
0xdd: {  	[tilespmem:s31], [sflag:$0x3] =	stream.linear.gather [hbm4b:s15+s4], $0x28, $0x38;
	[tilespmem:$0x1B280] =	vst v63  }
0xde: {  	_ =	swait.ge [sflag:s23], $0x28  }
0xdf: {  	[sflag:s23] =	ssyncset.done $0x0  }
0xe0: {  	[sflag:s23] =	ssyncadd.s32 $0xFFFFFFD8  }
0xe1: {  	[tilespmem:s0], [sflag:$0x2] =	stream.indirect.gather [hbm4b:s1+s25], $0x80, s30, s25, $0xb8;
	[tilespmem:$0x1B280] =	vst v63  }
0xe2: {  	_ = 	snop  }
0xe3: {  	[tilespmem:s2], [sflag:$0x2] =	stream.indirect.gather [hbm4b:s5+s25], $0x80, s31, s25, $0xb8;
	[tilespmem:$0x1B280] =	vst v63  }
0xe4: {  	s14 =	simm.s32 $0x0;
	s15 =	rddreg [dreg:$0xa]  }
0xe5: {  	[tilespmem:s9], [sflag:$0x2] =	stream.linear.gather [hbm4b:s15+s14], $0x1400, $0x38;
	[tilespmem:$0x1B280] =	vst v63  }
0xe6: {  	_ =	swait.ge [sflag:s10], $0x1400  }
0xe7: {  	[sflag:s10] =	ssyncset.done $0x0  }
0xe8: {  	[sflag:s10] =	ssyncadd.s32 $0xFFFFEC00  }
0xe9: {  	_ =	swait.ge [sflag:s10], $0x1400  }
0xea: {  	[sflag:s10] =	ssyncset.done $0x0  }
0xeb: {  	[sflag:s10] =	ssyncadd.s32 $0xFFFFEC00  }
0xec: {  	_ =	swait.ge [sflag:s10], $0x1400  }
0xed: {  	[sflag:s10] =	ssyncset.done $0x0  }
0xee: {  	s14 =	simm.s32 $0x0;
	[sflag:s10] =	ssyncadd.s32 $0xFFFFEC00  }
0xef: {  	v12 =	vld [tilespmem:s14+$0x200]  }
0xf0: {  	v17 =	vld [tilespmem:s14+$0x1600]  }
0xf1: {  	v19 =	vld [tilespmem:s14+$0x210]  }
0xf2: {  	v20 =	vld [tilespmem:s14+$0x1610]  }
0xf3: {  	v5 =	vld [tilespmem:s14+$0x220]  }
0xf4: {  	v9 =	vld [tilespmem:s14+$0x1620]  }
0xf5: {  	v7 =	vld [tilespmem:s14+$0x230]  }
0xf6: {  	v11 =	vld [tilespmem:s14+$0x1630]  }
0xf7: {  	v8 =	vld [tilespmem:s14+$0x240]  }
0xf8: {  	v10 =	vld [tilespmem:s14+$0x1640]  }
0xf9: {  	v4 =	vld [tilespmem:s14+$0x250]  }
0xfa: {  	v6 =	vld [tilespmem:s14+$0x1650]  }
0xfb: {  	v2 =	vld [tilespmem:s14+$0x260]  }
0xfc: {  	v3 =	vld [tilespmem:s14+$0x1660]  }
0xfd: {  	v0 =	vld [tilespmem:s14+$0x270]  }
0xfe: {  	v1 =	vld [tilespmem:s14+$0x1670]  }
0xff: {  	v16 =	vld [tilespmem:s14+$0x2A00]  }
0x100: {  	v15 =	vld [tilespmem:s14+$0x2A10]  }
0x101: {  	v14 =	vld [tilespmem:s14+$0x2A20]  }
0x102: {  	v13 =	vld [tilespmem:s14+$0x2A30];
	v18 =	vadd.f32 v17, v12  }
0x103: {  	s15 =	simm.s32 $0x200;
	v17 =	vadd.f32 v20, v19;
	v12 =	vld [tilespmem:s14+$0x2A40]  }
.LBB2_8:
0x104: {  	p1 =	sne.s32 s15, $0x4E00;
	v16 =	vadd.f32 v16, v18;
	v5 =	vadd.f32 v9, v5;
	v9 =	vld [tilespmem:s14+$0x2A50]  }
0x105: {  	v7 =	vadd.f32 v11, v7;
	v15 =	vadd.f32 v15, v17;
	v11 =	vld [tilespmem:s14+$0x2A60]  }
0x106: {  	s18 =	sshra.s32 s15, $0x2;
	v8 =	vadd.f32 v10, v8;
	v16 =	vmax.f32 v16, $0.0e+00;
	v5 =	vadd.f32 v14, v5;
	v10 =	vld [tilespmem:s14+$0x2A70]  }
0x107: {  	v4 =	vadd.f32 v6, v4;
	v17 =	vld [tilespmem:s18+$0x200];
	[tilespmem:s14+$0x2A00] =	vst v16;
	v14 =	vmax.f32 v15, $0.0e+00;
	v7 =	vadd.f32 v13, v7  }
0x108: {  	v2 =	vadd.f32 v3, v2;
	v13 =	vld [tilespmem:s18+$0x1600];
	[tilespmem:s14+$0x2A10] =	vst v14;
	v5 =	vmax.f32 v5, $0.0e+00;
	v6 =	vadd.f32 v12, v8  }
0x109: {  	v0 =	vadd.f32 v1, v0;
	v12 =	vld [tilespmem:s18+$0x210];
	[tilespmem:s14+$0x2A20] =	vst v5;
	v3 =	vmax.f32 v7, $0.0e+00;
	v4 =	vadd.f32 v9, v4  }
0x10a: {  	v19 =	vld [tilespmem:s18+$0x1610];
	[tilespmem:s14+$0x2A30] =	vst v3;
	v1 =	vmax.f32 v6, $0.0e+00;
	v2 =	vadd.f32 v11, v2  }
0x10b: {  	v5 =	vld [tilespmem:s18+$0x220];
	[tilespmem:s14+$0x2A40] =	vst v1;
	v1 =	vmax.f32 v4, $0.0e+00;
	v0 =	vadd.f32 v10, v0  }
0x10c: {  	v9 =	vld [tilespmem:s18+$0x1620];
	[tilespmem:s14+$0x2A50] =	vst v1;
	v1 =	vmax.f32 v2, $0.0e+00  }
0x10d: {  	v7 =	vld [tilespmem:s18+$0x230];
	[tilespmem:s14+$0x2A60] =	vst v1;
	v0 =	vmax.f32 v0, $0.0e+00  }
0x10e: {  	v11 =	vld [tilespmem:s18+$0x1630];
	[tilespmem:s14+$0x2A70] =	vst v0;
	s14 =	smov.u32 s18  }
0x10f: {  	v8 =	vld [tilespmem:s14+$0x240]  }
0x110: {  	v10 =	vld [tilespmem:s14+$0x1640]  }
0x111: {  	v4 =	vld [tilespmem:s14+$0x250]  }
0x112: {  	v6 =	vld [tilespmem:s14+$0x1650]  }
0x113: {  	v2 =	vld [tilespmem:s14+$0x260]  }
0x114: {  	v3 =	vld [tilespmem:s14+$0x1660]  }
0x115: {  	v0 =	vld [tilespmem:s14+$0x270]  }
0x116: {  	v1 =	vld [tilespmem:s14+$0x1670]  }
.Ltmp3:
0x117: {  	v16 =	vld [tilespmem:s14+$0x2A00];
	(pc) =	sbr.rel @p1 .LBB2_8-.Ltmp3, $4  }
0x118: {  	v15 =	vld [tilespmem:s14+$0x2A10]  }
0x119: {  	v14 =	vld [tilespmem:s14+$0x2A20]  }
0x11a: {  	v18 =	vadd.f32 v13, v17;
	v13 =	vld [tilespmem:s14+$0x2A30]  }
0x11b: {  	s15 =	sadd.s32 $0x200, s15;
	v17 =	vadd.f32 v19, v12;
	v12 =	vld [tilespmem:s14+$0x2A40]  }
0x11c: {  	v16 =	vadd.f32 v16, v18  }
0x11d: {  	v5 =	vadd.f32 v9, v5;
	v9 =	vld [tilespmem:s14+$0x2A50];
	v7 =	vadd.f32 v11, v7  }
0x11e: {  	v8 =	vadd.f32 v10, v8;
	v10 =	vld [tilespmem:s14+$0x2A70];
	v15 =	vadd.f32 v15, v17  }
0x11f: {  	v11 =	vld [tilespmem:s14+$0x2A60];
	v16 =	vmax.f32 v16, $0.0e+00;
	v5 =	vadd.f32 v14, v5  }
0x120: {  	v4 =	vadd.f32 v6, v4;
	[tilespmem:s14+$0x2A00] =	vst v16;
	v14 =	vmax.f32 v15, $0.0e+00;
	v7 =	vadd.f32 v13, v7  }
0x121: {  	v0 =	vadd.f32 v1, v0;
	[tilespmem:s14+$0x2A10] =	vst v14;
	v5 =	vmax.f32 v5, $0.0e+00;
	v6 =	vadd.f32 v12, v8  }
0x122: {  	v2 =	vadd.f32 v3, v2;
	[tilespmem:s14+$0x2A20] =	vst v5;
	v3 =	vmax.f32 v7, $0.0e+00;
	v4 =	vadd.f32 v9, v4  }
0x123: {  	v0 =	vadd.f32 v10, v0;
	[tilespmem:s14+$0x2A30] =	vst v3;
	v1 =	vmax.f32 v6, $0.0e+00  }
0x124: {  	v2 =	vadd.f32 v11, v2;
	[tilespmem:s14+$0x2A40] =	vst v1;
	v1 =	vmax.f32 v4, $0.0e+00  }
0x125: {  	v0 =	vmax.f32 v0, $0.0e+00;
	[tilespmem:s14+$0x2A50] =	vst v1  }
0x126: {  	v1 =	vmax.f32 v2, $0.0e+00;
	[tilespmem:s14+$0x2A70] =	vst v0  }
0x127: {  	[tilespmem:s14+$0x2A60] =	vst v1  }
0x128: {  	[spmem:s3] =	stream.indirect.scatter.add.f32 [tilespmem:s29], [sflag:$0x3], $0x80, s24, s25, $0xb8;
	[tilespmem:$0x1B280] =	vst v63  }
0x129: {  	_ =	swait.ge [sflag:s23], $0x1400  }
0x12a: {  	[sflag:s23] =	ssyncset.done $0x0  }
0x12b: {  	[sflag:s23] =	ssyncadd.s32 $0xFFFFEC00  }
0x12c: {  	_ =	swait.ge [sflag:s12], $0x1400  }
0x12d: {  	[sflag:s12] =	ssyncset.done $0x0  }
0x12e: {  	[sflag:s12] =	ssyncadd.s32 $0xFFFFEC00  }
0x12f: {  	_ =	swait.ge [sflag:s12], $0x1400  }
0x130: {  	[sflag:s12] =	ssyncset.done $0x0  }
0x131: {  	[sflag:s12] =	ssyncadd.s32 $0xFFFFEC00  }
0x132: {  	_ =	swait.ge [sflag:s12], $0x1400  }
0x133: {  	[sflag:s12] =	ssyncset.done $0x0  }
0x134: {  	s14 =	simm.s32 $0x0;
	[sflag:s12] =	ssyncadd.s32 $0xFFFFEC00  }
0x135: {  	v12 =	vld [tilespmem:s14+$0x3E00]  }
0x136: {  	v17 =	vld [tilespmem:s14+$0x5200]  }
0x137: {  	v19 =	vld [tilespmem:s14+$0x3E10]  }
0x138: {  	v20 =	vld [tilespmem:s14+$0x5210]  }
0x139: {  	v5 =	vld [tilespmem:s14+$0x3E20]  }
0x13a: {  	v9 =	vld [tilespmem:s14+$0x5220]  }
0x13b: {  	v7 =	vld [tilespmem:s14+$0x3E30]  }
0x13c: {  	v11 =	vld [tilespmem:s14+$0x5230]  }
0x13d: {  	v8 =	vld [tilespmem:s14+$0x3E40]  }
0x13e: {  	v10 =	vld [tilespmem:s14+$0x5240]  }
0x13f: {  	v4 =	vld [tilespmem:s14+$0x3E50]  }
0x140: {  	v6 =	vld [tilespmem:s14+$0x5250]  }
0x141: {  	v2 =	vld [tilespmem:s14+$0x3E60]  }
0x142: {  	v3 =	vld [tilespmem:s14+$0x5260]  }
0x143: {  	v0 =	vld [tilespmem:s14+$0x3E70]  }
0x144: {  	v1 =	vld [tilespmem:s14+$0x5270]  }
0x145: {  	v16 =	vld [tilespmem:s14+$0x6600]  }
0x146: {  	v15 =	vld [tilespmem:s14+$0x6610]  }
0x147: {  	v14 =	vld [tilespmem:s14+$0x6620]  }
0x148: {  	v13 =	vld [tilespmem:s14+$0x6630];
	v18 =	vadd.f32 v17, v12  }
0x149: {  	s15 =	simm.s32 $0x200;
	s19 =	smov.u32 s22;
	v17 =	vadd.f32 v20, v19;
	v12 =	vld [tilespmem:s14+$0x6640]  }
.LBB2_10:
0x14a: {  	p1 =	sne.s32 s15, $0x4E00;
	v16 =	vadd.f32 v16, v18;
	v5 =	vadd.f32 v9, v5;
	v9 =	vld [tilespmem:s14+$0x6650]  }
0x14b: {  	v7 =	vadd.f32 v11, v7;
	v15 =	vadd.f32 v15, v17;
	v11 =	vld [tilespmem:s14+$0x6660]  }
0x14c: {  	s18 =	sshra.s32 s15, $0x2;
	v8 =	vadd.f32 v10, v8;
	v16 =	vmax.f32 v16, $0.0e+00;
	v5 =	vadd.f32 v14, v5;
	v10 =	vld [tilespmem:s14+$0x6670]  }
0x14d: {  	v4 =	vadd.f32 v6, v4;
	v17 =	vld [tilespmem:s18+$0x3E00];
	[tilespmem:s14+$0x6600] =	vst v16;
	v14 =	vmax.f32 v15, $0.0e+00;
	v7 =	vadd.f32 v13, v7  }
0x14e: {  	v2 =	vadd.f32 v3, v2;
	v13 =	vld [tilespmem:s18+$0x5200];
	[tilespmem:s14+$0x6610] =	vst v14;
	v5 =	vmax.f32 v5, $0.0e+00;
	v6 =	vadd.f32 v12, v8  }
0x14f: {  	v0 =	vadd.f32 v1, v0;
	v12 =	vld [tilespmem:s18+$0x3E10];
	[tilespmem:s14+$0x6620] =	vst v5;
	v3 =	vmax.f32 v7, $0.0e+00;
	v4 =	vadd.f32 v9, v4  }
0x150: {  	v19 =	vld [tilespmem:s18+$0x5210];
	[tilespmem:s14+$0x6630] =	vst v3;
	v1 =	vmax.f32 v6, $0.0e+00;
	v2 =	vadd.f32 v11, v2  }
0x151: {  	v5 =	vld [tilespmem:s18+$0x3E20];
	[tilespmem:s14+$0x6640] =	vst v1;
	v1 =	vmax.f32 v4, $0.0e+00;
	v0 =	vadd.f32 v10, v0  }
0x152: {  	v9 =	vld [tilespmem:s18+$0x5220];
	[tilespmem:s14+$0x6650] =	vst v1;
	v1 =	vmax.f32 v2, $0.0e+00  }
0x153: {  	v7 =	vld [tilespmem:s18+$0x3E30];
	[tilespmem:s14+$0x6660] =	vst v1;
	v0 =	vmax.f32 v0, $0.0e+00  }
0x154: {  	v11 =	vld [tilespmem:s18+$0x5230];
	[tilespmem:s14+$0x6670] =	vst v0;
	s14 =	smov.u32 s18  }
0x155: {  	v8 =	vld [tilespmem:s14+$0x3E40]  }
0x156: {  	v10 =	vld [tilespmem:s14+$0x5240]  }
0x157: {  	v4 =	vld [tilespmem:s14+$0x3E50]  }
0x158: {  	v6 =	vld [tilespmem:s14+$0x5250]  }
0x159: {  	v2 =	vld [tilespmem:s14+$0x3E60]  }
0x15a: {  	v3 =	vld [tilespmem:s14+$0x5260]  }
0x15b: {  	v0 =	vld [tilespmem:s14+$0x3E70]  }
0x15c: {  	v1 =	vld [tilespmem:s14+$0x5270]  }
.Ltmp4:
0x15d: {  	v16 =	vld [tilespmem:s14+$0x6600];
	(pc) =	sbr.rel @p1 .LBB2_10-.Ltmp4, $4  }
0x15e: {  	v15 =	vld [tilespmem:s14+$0x6610]  }
0x15f: {  	v14 =	vld [tilespmem:s14+$0x6620]  }
0x160: {  	v18 =	vadd.f32 v13, v17;
	v13 =	vld [tilespmem:s14+$0x6630]  }
0x161: {  	s15 =	sadd.s32 $0x200, s15;
	v17 =	vadd.f32 v19, v12;
	v12 =	vld [tilespmem:s14+$0x6640]  }
0x162: {  	v16 =	vadd.f32 v16, v18;
	v5 =	vadd.f32 v9, v5;
	v55 =	vld [tilespmem:s14+$0x6650]  }
0x163: {  	v7 =	vadd.f32 v11, v7;
	v56 =	vld [tilespmem:s14+$0x6660];
	v15 =	vadd.f32 v15, v17  }
0x164: {  	v8 =	vadd.f32 v10, v8;
	v57 =	vld [tilespmem:s14+$0x6670];
	v16 =	vmax.f32 v16, $0.0e+00;
	v5 =	vadd.f32 v14, v5  }
0x165: {  	v4 =	vadd.f32 v6, v4;
	[tilespmem:s14+$0x6600] =	vst v16;
	v58 =	vmax.f32 v15, $0.0e+00;
	v7 =	vadd.f32 v13, v7  }
0x166: {  	v2 =	vadd.f32 v3, v2;
	[tilespmem:s14+$0x6610] =	vst v58;
	v5 =	vmax.f32 v5, $0.0e+00;
	v59 =	vadd.f32 v12, v8  }
0x167: {  	v0 =	vadd.f32 v1, v0;
	[tilespmem:s14+$0x6620] =	vst v5;
	v60 =	vmax.f32 v7, $0.0e+00;
	v4 =	vadd.f32 v55, v4  }
0x168: {  	v2 =	vadd.f32 v56, v2;
	[tilespmem:s14+$0x6630] =	vst v60;
	v61 =	vmax.f32 v59, $0.0e+00  }
0x169: {  	v0 =	vadd.f32 v57, v0;
	[tilespmem:s14+$0x6640] =	vst v61;
	v62 =	vmax.f32 v4, $0.0e+00  }
0x16a: {  	v63 =	vmax.f32 v2, $0.0e+00;
	[tilespmem:s14+$0x6650] =	vst v62  }
0x16b: {  	v0 =	vmax.f32 v0, $0.0e+00;
	[tilespmem:s14+$0x6660] =	vst v63  }
0x16c: {  	[tilespmem:s14+$0x6670] =	vst v0  }
0x16d: {  	[spmem:s3] =	stream.indirect.scatter.add.f32 [tilespmem:s9], [sflag:$0x3], $0x80, s31, s25, $0xb8;
	[tilespmem:$0x1B280] =	vst v63  }
0x16e: {  	_ =	swait.ge [sflag:s23], $0x1400  }
0x16f: {  	[sflag:s23] =	ssyncset.done $0x0  }
0x170: {  	[sflag:s23] =	ssyncadd.s32 $0xFFFFEC00  }
0x171: {  	[bflag:$0x0] =	sbarrier.arrive $0xFFFF  }
0x172: {  	s14 =	rddreg [dreg:$0xb]  }
0x173: {  	s18 =	rddreg [dreg:$0xd]  }
0x174: {  	[hbm:s14], [sflag:s18] =	dma.local @!p0 [spmem:s19], $0x3E80  }
0x175: {  	s14 =	simm.s32 @!p0 $0x3  }
0x176: {  	_ =	swait.ge @!p0 [sflag:s14], $0x3E80  }
0x177: {  	s13 =	sadd.s32 $0x1, s13;
	s15 =	rddreg [dreg:$0xc]  }
0x178: {  	p1 =	sne.s32 s13, s15  }
.Ltmp5:
0x179: {  	_ = 	snop;
	(pc) =	sbr.rel @p1 .LBB2_1-.Ltmp5, $3  }
0x17a: {  	_ =	sdelay $0x1  }
0x17b: {  	[sflag:s14] =	ssyncset.done @!p0 $0x0  }
0x17c: {  	[sflag:s14] =	ssyncadd.s32 @!p0 $0xFFFFC180  }
0x17d: {  	_ =	sfence.sel $0x180000  }
0x17e: {  	[bflag:$0x0] =	sbarrier.arrive $0xFFFF  }
0x17f: {  	_ =	strace $0x90000047  }
0x180: {  	s0 =	stileid.u32;
	[bflag:$0x2] =	sbarrier.arrive $0xFFFF  }
0x181: {  	p0 =	sne.s32 s0, $0x0;
	s0 =	rddreg [dreg:$0x3]  }
0x182: {  	s0 =	sadd.s32 @!p0 $0x100000, s0  }
0x183: {  	[sflag:s0] =	ssyncadd.tile.s32 @!p0 $0x1;
	_ =	shalt  }
.Lfunc_end2:
_tile_overlayer_lowered:
.L_overlay_start_2:
0x184: {  	(tag) =	ssettag $0x2  }
0x185: {  	s0 =	rddreg [dreg:$0x0];
	s2 =	stileid.u32  }
0x186: {  	s1 =	rddreg [dreg:$0x1];
	p0 =	sne.s32 s2, $0x0  }
0x187: {  	s3 =	rddreg [dreg:$0x2];
	[bflag:$0x3] =	sbarrier.arrive $0xFFFF;
	s2 =	simm.s32 @!p0 $0x1C03  }
0x188: {  	[timem:s3], [sflag:s2] =	dma.local @!p0 [hbm:s0], s1  }
0x189: {  	s0 =	simm.s32 @!p0 $0x3  }
0x18a: {  	_ =	swait.ge @!p0 [sflag:s0], s1  }
0x18b: {  	s1 =	ssub.s32 @!p0 $0x0, s1;
	[sflag:s0] =	ssyncset.done @!p0 $0x0  }
0x18c: {  	[sflag:s0] =	ssyncadd.s32 @!p0 s1  }
0x18d: {  	[bflag:$0x3] =	sbarrier.arrive $0xFFFF  }
0x18e: {  	_ =	shalt  }

</sc_bundles>
